<compile_context>
chip_gen: v7x
topology: tpu7x:2x2x1
jax: 0.10.2.dev20260603
libtpu: 0.0.44.dev20260713+nightly
codegen_flags: <defaults>
</compile_context>

<pallas_src>
import functools

import jax
import jax.numpy as jnp
from jax import lax
from jax.experimental import pallas as pl
from jax.experimental.pallas import tpu as pltpu
from jax.experimental.pallas import tpu_sc as plsc

_CHUNK = 256


@functools.lru_cache(maxsize=None)
def _make_sc_gather_exp(vocab: int, batch: int):
    info = plsc.get_sparse_core_info()
    nc, ns, nl = 1, info.num_subcores, info.num_lanes
    nw = nc * ns
    assert batch % (8 * nw) == 0
    b_per_w = batch // nw
    n_chunks = b_per_w // _CHUNK
    assert n_chunks * _CHUNK == b_per_w
    mesh = plsc.VectorSubcoreMesh(
        core_axis_name="c", subcore_axis_name="s", num_cores=1
    )

    @functools.partial(
        pl.kernel,
        mesh=mesh,
        out_type=jax.ShapeDtypeStruct((batch,), jnp.float32),
        scratch_types=[
            pltpu.VMEM((b_per_w,), jnp.int32),
            pltpu.VMEM((b_per_w,), jnp.float32),
            pltpu.SemaphoreType.DMA((n_chunks,)),
            pltpu.SemaphoreType.DMA,
        ],
    )
    def k(idx_hbm, table_hbm, out_hbm, idx_v, rows_v, sems, out_sem):
        wid = lax.axis_index("s") * nc + lax.axis_index("c")
        base = wid * b_per_w
        idx_cp, gat_cp, out_cp = [], [], []
        for j in range(n_chunks):
            sl = pl.ds(j * _CHUNK, _CHUNK)
            idx_cp.append(
                pltpu.async_copy(
                    idx_hbm.at[pl.ds(base + j * _CHUNK, _CHUNK)],
                    idx_v.at[sl],
                    sems.at[j],
                )
            )
        for j in range(n_chunks):
            sl = pl.ds(j * _CHUNK, _CHUNK)
            idx_cp[j].wait()
            gat_cp.append(
                pltpu.async_copy(
                    table_hbm.at[idx_v.at[sl]], rows_v.at[sl], sems.at[j]
                )
            )
        for j in range(n_chunks):
            gat_cp[j].wait()
            for i in range(_CHUNK // nl):
                sl = pl.ds(j * _CHUNK + i * nl, nl)
                rows_v[sl] = jnp.exp(rows_v[sl])
            sl = pl.ds(j * _CHUNK, _CHUNK)
            out_cp.append(
                pltpu.async_copy(
                    rows_v.at[sl],
                    out_hbm.at[pl.ds(base + j * _CHUNK, _CHUNK)],
                    out_sem,
                )
            )
        for c in out_cp:
            c.wait()

    return k


def kernel(x, temps):
    batch = x.shape[0]
    vocab = temps.shape[0]
    table = temps.reshape(vocab)
    out = _make_sc_gather_exp(vocab, batch)(x.astype(jnp.int32), table)
    return out.reshape(batch, 1)

# --- scband reference (transcript-rebuilt; emitter-appended) ---
"""Pipeline reference for scband-scaling-id-54786602828019 (READ-ONLY COPY).

The authoritative reference and input builder live on the scoring server;
editing this copy changes nothing except your own understanding.
"""

import jax, jax.numpy as jnp
import numpy as np

NUM_PARTICIPANTS = 100000
BATCH = 16384

def setup_inputs(seed: int = 0) -> dict:
    key = jax.random.key(seed)
    k1, k2 = jax.random.split(key)
    x = jax.random.randint(k1, (BATCH,), 0, NUM_PARTICIPANTS, dtype=jnp.int64 if jax.config.jax_enable_x64 else jnp.int32)
    # Embedding table initialized like the torch module: normal(mean=-2.3, std=0.5)
    temps = -2.3 + 0.5 * jax.random.normal(k2, (NUM_PARTICIPANTS, 1), dtype=jnp.float32)
    return {"x": x, "temps": temps}

def reference(x, temps):
    # forward: exp(individual_temps(x))
    gathered = jnp.take(temps, x, axis=0)  # [B, 1]
    return jnp.exp(gathered)

if __name__ == "__main__":
    import jax
    _d = setup_inputs()
    print(jax.jit(kernel)(*tuple(_d.values())))

</pallas_src>

<mosaic_0001>
#map = affine_map<(d0, d1) -> (0)>
module attributes {stable_mosaic.version = 14 : i64} {
  func.func @k(%arg0: i32, %arg1: i32, %arg2: memref<16384xi32, #tpu.memory_space<hbm>>, %arg3: memref<100000xf32, #tpu.memory_space<hbm>>, %arg4: memref<16384xf32, #tpu.memory_space<hbm>>, %arg5: memref<1024xi32, #tpu.memory_space<vmem>>, %arg6: memref<1024xf32, #tpu.memory_space<vmem>>, %arg7: memref<4x!tpu.dma_semaphore, #tpu.memory_space<semaphore_mem>>, %arg8: memref<!tpu.dma_semaphore, #tpu.memory_space<semaphore_mem>>) attributes {dimension_semantics = [#tpu.dimension_semantics<core_parallel>, #tpu.dimension_semantics<subcore_parallel>], iteration_bounds = array<i64: 1, 16>, scalar_prefetch = 0 : i64, scratch_operands = 4 : i64, tpu.core_type = #tpu.core_type<sc_vector_subcore>, window_params = [{transform_indices = #map}, {transform_indices = #map}, {transform_indices = #map}]} {
    %mul3A = arith.constant 1 : i32
    %mul3A_0 = arith.muli %arg1, %mul3A : i32
    %add3A = arith.addi %mul3A_0, %arg0 : i32
    %mul3A_1 = arith.constant 1024 : i32
    %mul3A_2 = arith.muli %add3A, %mul3A_1 : i32
    %add3A_3 = arith.constant 0 : i32
    %add3A_4 = arith.addi %mul3A_2, %add3A_3 : i32
    %dma_start3A = arith.constant 0 : i32
    %dma_start3A_5 = arith.constant 0 : i32
    %dma_start3A_6 = tpu.memref_slice %arg5[%dma_start3A_5] : memref<1024xi32, #tpu.memory_space<vmem>> -> memref<256xi32, #tpu.memory_space<vmem>>
    %dma_start3A_7 = tpu.memref_slice %arg2[%add3A_4] : memref<16384xi32, #tpu.memory_space<hbm>> -> memref<256xi32, #tpu.memory_space<hbm>>
    %dma_start3A_8 = tpu.memref_slice %arg7[%dma_start3A] : memref<4x!tpu.dma_semaphore, #tpu.memory_space<semaphore_mem>> -> memref<1x!tpu.dma_semaphore, #tpu.memory_space<semaphore_mem>>
    %dma_start3A_9 = tpu.memref_squeeze %dma_start3A_8 : memref<1x!tpu.dma_semaphore, #tpu.memory_space<semaphore_mem>> -> memref<!tpu.dma_semaphore, #tpu.memory_space<semaphore_mem>>
    %dma_start3A_10 = arith.constant 0 : i32
    %dma_start3A_11 = tpu.memref_slice %arg5[%dma_start3A_10] : memref<1024xi32, #tpu.memory_space<vmem>> -> memref<256xi32, #tpu.memory_space<vmem>>
    %dma_start3A_12 = tpu.memref_slice %arg2[%add3A_4] : memref<16384xi32, #tpu.memory_space<hbm>> -> memref<256xi32, #tpu.memory_space<hbm>>
    tpu.enqueue_dma source(%dma_start3A_12 : memref<256xi32, #tpu.memory_space<hbm>>) target(%dma_start3A_11 : memref<256xi32, #tpu.memory_space<vmem>>) target_semaphore(%dma_start3A_9 : memref<!tpu.dma_semaphore, #tpu.memory_space<semaphore_mem>>)
    %add3A_13 = arith.constant 256 : i32
    %add3A_14 = arith.addi %mul3A_2, %add3A_13 : i32
    %dma_start3A_15 = arith.constant 1 : i32
    %dma_start3A_16 = arith.constant 256 : i32
    %dma_start3A_17 = tpu.memref_slice %arg5[%dma_start3A_16] : memref<1024xi32, #tpu.memory_space<vmem>> -> memref<256xi32, #tpu.memory_space<vmem>>
    %dma_start3A_18 = tpu.memref_slice %arg2[%add3A_14] : memref<16384xi32, #tpu.memory_space<hbm>> -> memref<256xi32, #tpu.memory_space<hbm>>
    %dma_start3A_19 = tpu.memref_slice %arg7[%dma_start3A_15] : memref<4x!tpu.dma_semaphore, #tpu.memory_space<semaphore_mem>> -> memref<1x!tpu.dma_semaphore, #tpu.memory_space<semaphore_mem>>
    %dma_start3A_20 = tpu.memref_squeeze %dma_start3A_19 : memref<1x!tpu.dma_semaphore, #tpu.memory_space<semaphore_mem>> -> memref<!tpu.dma_semaphore, #tpu.memory_space<semaphore_mem>>
    %dma_start3A_21 = arith.constant 256 : i32
    %dma_start3A_22 = tpu.memref_slice %arg5[%dma_start3A_21] : memref<1024xi32, #tpu.memory_space<vmem>> -> memref<256xi32, #tpu.memory_space<vmem>>
    %dma_start3A_23 = tpu.memref_slice %arg2[%add3A_14] : memref<16384xi32, #tpu.memory_space<hbm>> -> memref<256xi32, #tpu.memory_space<hbm>>
    tpu.enqueue_dma source(%dma_start3A_23 : memref<256xi32, #tpu.memory_space<hbm>>) target(%dma_start3A_22 : memref<256xi32, #tpu.memory_space<vmem>>) target_semaphore(%dma_start3A_20 : memref<!tpu.dma_semaphore, #tpu.memory_space<semaphore_mem>>)
    %add3A_24 = arith.constant 512 : i32
    %add3A_25 = arith.addi %mul3A_2, %add3A_24 : i32
    %dma_start3A_26 = arith.constant 2 : i32
    %dma_start3A_27 = arith.constant 512 : i32
    %dma_start3A_28 = tpu.memref_slice %arg5[%dma_start3A_27] : memref<1024xi32, #tpu.memory_space<vmem>> -> memref<256xi32, #tpu.memory_space<vmem>>
    %dma_start3A_29 = tpu.memref_slice %arg2[%add3A_25] : memref<16384xi32, #tpu.memory_space<hbm>> -> memref<256xi32, #tpu.memory_space<hbm>>
    %dma_start3A_30 = tpu.memref_slice %arg7[%dma_start3A_26] : memref<4x!tpu.dma_semaphore, #tpu.memory_space<semaphore_mem>> -> memref<1x!tpu.dma_semaphore, #tpu.memory_space<semaphore_mem>>
    %dma_start3A_31 = tpu.memref_squeeze %dma_start3A_30 : memref<1x!tpu.dma_semaphore, #tpu.memory_space<semaphore_mem>> -> memref<!tpu.dma_semaphore, #tpu.memory_space<semaphore_mem>>
    %dma_start3A_32 = arith.constant 512 : i32
    %dma_start3A_33 = tpu.memref_slice %arg5[%dma_start3A_32] : memref<1024xi32, #tpu.memory_space<vmem>> -> memref<256xi32, #tpu.memory_space<vmem>>
    %dma_start3A_34 = tpu.memref_slice %arg2[%add3A_25] : memref<16384xi32, #tpu.memory_space<hbm>> -> memref<256xi32, #tpu.memory_space<hbm>>
    tpu.enqueue_dma source(%dma_start3A_34 : memref<256xi32, #tpu.memory_space<hbm>>) target(%dma_start3A_33 : memref<256xi32, #tpu.memory_space<vmem>>) target_semaphore(%dma_start3A_31 : memref<!tpu.dma_semaphore, #tpu.memory_space<semaphore_mem>>)
    %add3A_35 = arith.constant 768 : i32
    %add3A_36 = arith.addi %mul3A_2, %add3A_35 : i32
    %dma_start3A_37 = arith.constant 3 : i32
    %dma_start3A_38 = arith.constant 768 : i32
    %dma_start3A_39 = tpu.memref_slice %arg5[%dma_start3A_38] : memref<1024xi32, #tpu.memory_space<vmem>> -> memref<256xi32, #tpu.memory_space<vmem>>
    %dma_start3A_40 = tpu.memref_slice %arg2[%add3A_36] : memref<16384xi32, #tpu.memory_space<hbm>> -> memref<256xi32, #tpu.memory_space<hbm>>
    %dma_start3A_41 = tpu.memref_slice %arg7[%dma_start3A_37] : memref<4x!tpu.dma_semaphore, #tpu.memory_space<semaphore_mem>> -> memref<1x!tpu.dma_semaphore, #tpu.memory_space<semaphore_mem>>
    %dma_start3A_42 = tpu.memref_squeeze %dma_start3A_41 : memref<1x!tpu.dma_semaphore, #tpu.memory_space<semaphore_mem>> -> memref<!tpu.dma_semaphore, #tpu.memory_space<semaphore_mem>>
    %dma_start3A_43 = arith.constant 768 : i32
    %dma_start3A_44 = tpu.memref_slice %arg5[%dma_start3A_43] : memref<1024xi32, #tpu.memory_space<vmem>> -> memref<256xi32, #tpu.memory_space<vmem>>
    %dma_start3A_45 = tpu.memref_slice %arg2[%add3A_36] : memref<16384xi32, #tpu.memory_space<hbm>> -> memref<256xi32, #tpu.memory_space<hbm>>
    tpu.enqueue_dma source(%dma_start3A_45 : memref<256xi32, #tpu.memory_space<hbm>>) target(%dma_start3A_44 : memref<256xi32, #tpu.memory_space<vmem>>) target_semaphore(%dma_start3A_42 : memref<!tpu.dma_semaphore, #tpu.memory_space<semaphore_mem>>)
    %dma_wait3A = arith.constant 0 : i32
    %dma_wait3A_46 = arith.constant 0 : i32
    %dma_wait3A_47 = tpu.memref_slice %arg5[%dma_wait3A_46] : memref<1024xi32, #tpu.memory_space<vmem>> -> memref<256xi32, #tpu.memory_space<vmem>>
    %dma_wait3A_48 = tpu.memref_slice %arg2[%add3A_4] : memref<16384xi32, #tpu.memory_space<hbm>> -> memref<256xi32, #tpu.memory_space<hbm>>
    %dma_wait3A_49 = tpu.memref_slice %arg7[%dma_wait3A] : memref<4x!tpu.dma_semaphore, #tpu.memory_space<semaphore_mem>> -> memref<1x!tpu.dma_semaphore, #tpu.memory_space<semaphore_mem>>
    %dma_wait3A_50 = tpu.memref_squeeze %dma_wait3A_49 : memref<1x!tpu.dma_semaphore, #tpu.memory_space<semaphore_mem>> -> memref<!tpu.dma_semaphore, #tpu.memory_space<semaphore_mem>>
    %dma_wait3A_51 = arith.constant 0 : i32
    %dma_wait3A_52 = tpu.memref_slice %arg5[%dma_wait3A_51] : memref<1024xi32, #tpu.memory_space<vmem>> -> memref<256xi32, #tpu.memory_space<vmem>>
    %dma_wait3A_53 = tpu.memref_slice %arg2[%add3A_4] : memref<16384xi32, #tpu.memory_space<hbm>> -> memref<256xi32, #tpu.memory_space<hbm>>
    tpu.wait_dma2 semaphore(%dma_wait3A_50 : memref<!tpu.dma_semaphore, #tpu.memory_space<semaphore_mem>>) src(%dma_wait3A_53 : memref<256xi32, #tpu.memory_space<hbm>>) dst(%dma_wait3A_52 : memref<256xi32, #tpu.memory_space<vmem>>)
    %dma_start3A_54 = arith.constant 0 : i32
    %dma_start3A_55 = arith.constant 0 : i32
    %dma_start3A_56 = tpu.memref_slice %arg6[%dma_start3A_55] : memref<1024xf32, #tpu.memory_space<vmem>> -> memref<256xf32, #tpu.memory_space<vmem>>
    %dma_start3A_57 = arith.constant 0 : i32
    %dma_start3A_58 = tpu.memref_slice %arg5[%dma_start3A_57] : memref<1024xi32, #tpu.memory_space<vmem>> -> memref<256xi32, #tpu.memory_space<vmem>>
    %dma_start3A_59 = arith.constant 0 : i32
    %dma_start3A_60 = tpu.memref_slice %arg3[%dma_start3A_59] : memref<100000xf32, #tpu.memory_space<hbm>> -> memref<100000xf32, #tpu.memory_space<hbm>>
    %dma_start3A_61 = tpu.memref_slice %arg7[%dma_start3A_54] : memref<4x!tpu.dma_semaphore, #tpu.memory_space<semaphore_mem>> -> memref<1x!tpu.dma_semaphore, #tpu.memory_space<semaphore_mem>>
    %dma_start3A_62 = tpu.memref_squeeze %dma_start3A_61 : memref<1x!tpu.dma_semaphore, #tpu.memory_space<semaphore_mem>> -> memref<!tpu.dma_semaphore, #tpu.memory_space<semaphore_mem>>
    tpu.enqueue_indirect_dma source(%dma_start3A_60 : memref<100000xf32, #tpu.memory_space<hbm>>) target(%dma_start3A_56 : memref<256xf32, #tpu.memory_space<vmem>>) offsets(%dma_start3A_58 : memref<256xi32, #tpu.memory_space<vmem>>) semaphore(%dma_start3A_62 : memref<!tpu.dma_semaphore, #tpu.memory_space<semaphore_mem>>)
    %dma_wait3A_63 = arith.constant 1 : i32
    %dma_wait3A_64 = arith.constant 256 : i32
    %dma_wait3A_65 = tpu.memref_slice %arg5[%dma_wait3A_64] : memref<1024xi32, #tpu.memory_space<vmem>> -> memref<256xi32, #tpu.memory_space<vmem>>
    %dma_wait3A_66 = tpu.memref_slice %arg2[%add3A_14] : memref<16384xi32, #tpu.memory_space<hbm>> -> memref<256xi32, #tpu.memory_space<hbm>>
    %dma_wait3A_67 = tpu.memref_slice %arg7[%dma_wait3A_63] : memref<4x!tpu.dma_semaphore, #tpu.memory_space<semaphore_mem>> -> memref<1x!tpu.dma_semaphore, #tpu.memory_space<semaphore_mem>>
    %dma_wait3A_68 = tpu.memref_squeeze %dma_wait3A_67 : memref<1x!tpu.dma_semaphore, #tpu.memory_space<semaphore_mem>> -> memref<!tpu.dma_semaphore, #tpu.memory_space<semaphore_mem>>
    %dma_wait3A_69 = arith.constant 256 : i32
    %dma_wait3A_70 = tpu.memref_slice %arg5[%dma_wait3A_69] : memref<1024xi32, #tpu.memory_space<vmem>> -> memref<256xi32, #tpu.memory_space<vmem>>
    %dma_wait3A_71 = tpu.memref_slice %arg2[%add3A_14] : memref<16384xi32, #tpu.memory_space<hbm>> -> memref<256xi32, #tpu.memory_space<hbm>>
    tpu.wait_dma2 semaphore(%dma_wait3A_68 : memref<!tpu.dma_semaphore, #tpu.memory_space<semaphore_mem>>) src(%dma_wait3A_71 : memref<256xi32, #tpu.memory_space<hbm>>) dst(%dma_wait3A_70 : memref<256xi32, #tpu.memory_space<vmem>>)
    %dma_start3A_72 = arith.constant 1 : i32
    %dma_start3A_73 = arith.constant 256 : i32
    %dma_start3A_74 = tpu.memref_slice %arg6[%dma_start3A_73] : memref<1024xf32, #tpu.memory_space<vmem>> -> memref<256xf32, #tpu.memory_space<vmem>>
    %dma_start3A_75 = arith.constant 256 : i32
    %dma_start3A_76 = tpu.memref_slice %arg5[%dma_start3A_75] : memref<1024xi32, #tpu.memory_space<vmem>> -> memref<256xi32, #tpu.memory_space<vmem>>
    %dma_start3A_77 = arith.constant 0 : i32
    %dma_start3A_78 = tpu.memref_slice %arg3[%dma_start3A_77] : memref<100000xf32, #tpu.memory_space<hbm>> -> memref<100000xf32, #tpu.memory_space<hbm>>
    %dma_start3A_79 = tpu.memref_slice %arg7[%dma_start3A_72] : memref<4x!tpu.dma_semaphore, #tpu.memory_space<semaphore_mem>> -> memref<1x!tpu.dma_semaphore, #tpu.memory_space<semaphore_mem>>
    %dma_start3A_80 = tpu.memref_squeeze %dma_start3A_79 : memref<1x!tpu.dma_semaphore, #tpu.memory_space<semaphore_mem>> -> memref<!tpu.dma_semaphore, #tpu.memory_space<semaphore_mem>>
    tpu.enqueue_indirect_dma source(%dma_start3A_78 : memref<100000xf32, #tpu.memory_space<hbm>>) target(%dma_start3A_74 : memref<256xf32, #tpu.memory_space<vmem>>) offsets(%dma_start3A_76 : memref<256xi32, #tpu.memory_space<vmem>>) semaphore(%dma_start3A_80 : memref<!tpu.dma_semaphore, #tpu.memory_space<semaphore_mem>>)
    %dma_wait3A_81 = arith.constant 2 : i32
    %dma_wait3A_82 = arith.constant 512 : i32
    %dma_wait3A_83 = tpu.memref_slice %arg5[%dma_wait3A_82] : memref<1024xi32, #tpu.memory_space<vmem>> -> memref<256xi32, #tpu.memory_space<vmem>>
    %dma_wait3A_84 = tpu.memref_slice %arg2[%add3A_25] : memref<16384xi32, #tpu.memory_space<hbm>> -> memref<256xi32, #tpu.memory_space<hbm>>
    %dma_wait3A_85 = tpu.memref_slice %arg7[%dma_wait3A_81] : memref<4x!tpu.dma_semaphore, #tpu.memory_space<semaphore_mem>> -> memref<1x!tpu.dma_semaphore, #tpu.memory_space<semaphore_mem>>
    %dma_wait3A_86 = tpu.memref_squeeze %dma_wait3A_85 : memref<1x!tpu.dma_semaphore, #tpu.memory_space<semaphore_mem>> -> memref<!tpu.dma_semaphore, #tpu.memory_space<semaphore_mem>>
    %dma_wait3A_87 = arith.constant 512 : i32
    %dma_wait3A_88 = tpu.memref_slice %arg5[%dma_wait3A_87] : memref<1024xi32, #tpu.memory_space<vmem>> -> memref<256xi32, #tpu.memory_space<vmem>>
    %dma_wait3A_89 = tpu.memref_slice %arg2[%add3A_25] : memref<16384xi32, #tpu.memory_space<hbm>> -> memref<256xi32, #tpu.memory_space<hbm>>
    tpu.wait_dma2 semaphore(%dma_wait3A_86 : memref<!tpu.dma_semaphore, #tpu.memory_space<semaphore_mem>>) src(%dma_wait3A_89 : memref<256xi32, #tpu.memory_space<hbm>>) dst(%dma_wait3A_88 : memref<256xi32, #tpu.memory_space<vmem>>)
    %dma_start3A_90 = arith.constant 2 : i32
    %dma_start3A_91 = arith.constant 512 : i32
    %dma_start3A_92 = tpu.memref_slice %arg6[%dma_start3A_91] : memref<1024xf32, #tpu.memory_space<vmem>> -> memref<256xf32, #tpu.memory_space<vmem>>
    %dma_start3A_93 = arith.constant 512 : i32
    %dma_start3A_94 = tpu.memref_slice %arg5[%dma_start3A_93] : memref<1024xi32, #tpu.memory_space<vmem>> -> memref<256xi32, #tpu.memory_space<vmem>>
    %dma_start3A_95 = arith.constant 0 : i32
    %dma_start3A_96 = tpu.memref_slice %arg3[%dma_start3A_95] : memref<100000xf32, #tpu.memory_space<hbm>> -> memref<100000xf32, #tpu.memory_space<hbm>>
    %dma_start3A_97 = tpu.memref_slice %arg7[%dma_start3A_90] : memref<4x!tpu.dma_semaphore, #tpu.memory_space<semaphore_mem>> -> memref<1x!tpu.dma_semaphore, #tpu.memory_space<semaphore_mem>>
    %dma_start3A_98 = tpu.memref_squeeze %dma_start3A_97 : memref<1x!tpu.dma_semaphore, #tpu.memory_space<semaphore_mem>> -> memref<!tpu.dma_semaphore, #tpu.memory_space<semaphore_mem>>
    tpu.enqueue_indirect_dma source(%dma_start3A_96 : memref<100000xf32, #tpu.memory_space<hbm>>) target(%dma_start3A_92 : memref<256xf32, #tpu.memory_space<vmem>>) offsets(%dma_start3A_94 : memref<256xi32, #tpu.memory_space<vmem>>) semaphore(%dma_start3A_98 : memref<!tpu.dma_semaphore, #tpu.memory_space<semaphore_mem>>)
    %dma_wait3A_99 = arith.constant 3 : i32
    %dma_wait3A_100 = arith.constant 768 : i32
    %dma_wait3A_101 = tpu.memref_slice %arg5[%dma_wait3A_100] : memref<1024xi32, #tpu.memory_space<vmem>> -> memref<256xi32, #tpu.memory_space<vmem>>
    %dma_wait3A_102 = tpu.memref_slice %arg2[%add3A_36] : memref<16384xi32, #tpu.memory_space<hbm>> -> memref<256xi32, #tpu.memory_space<hbm>>
    %dma_wait3A_103 = tpu.memref_slice %arg7[%dma_wait3A_99] : memref<4x!tpu.dma_semaphore, #tpu.memory_space<semaphore_mem>> -> memref<1x!tpu.dma_semaphore, #tpu.memory_space<semaphore_mem>>
    %dma_wait3A_104 = tpu.memref_squeeze %dma_wait3A_103 : memref<1x!tpu.dma_semaphore, #tpu.memory_space<semaphore_mem>> -> memref<!tpu.dma_semaphore, #tpu.memory_space<semaphore_mem>>
    %dma_wait3A_105 = arith.constant 768 : i32
    %dma_wait3A_106 = tpu.memref_slice %arg5[%dma_wait3A_105] : memref<1024xi32, #tpu.memory_space<vmem>> -> memref<256xi32, #tpu.memory_space<vmem>>
    %dma_wait3A_107 = tpu.memref_slice %arg2[%add3A_36] : memref<16384xi32, #tpu.memory_space<hbm>> -> memref<256xi32, #tpu.memory_space<hbm>>
    tpu.wait_dma2 semaphore(%dma_wait3A_104 : memref<!tpu.dma_semaphore, #tpu.memory_space<semaphore_mem>>) src(%dma_wait3A_107 : memref<256xi32, #tpu.memory_space<hbm>>) dst(%dma_wait3A_106 : memref<256xi32, #tpu.memory_space<vmem>>)
    %dma_start3A_108 = arith.constant 3 : i32
    %dma_start3A_109 = arith.constant 768 : i32
    %dma_start3A_110 = tpu.memref_slice %arg6[%dma_start3A_109] : memref<1024xf32, #tpu.memory_space<vmem>> -> memref<256xf32, #tpu.memory_space<vmem>>
    %dma_start3A_111 = arith.constant 768 : i32
    %dma_start3A_112 = tpu.memref_slice %arg5[%dma_start3A_111] : memref<1024xi32, #tpu.memory_space<vmem>> -> memref<256xi32, #tpu.memory_space<vmem>>
    %dma_start3A_113 = arith.constant 0 : i32
    %dma_start3A_114 = tpu.memref_slice %arg3[%dma_start3A_113] : memref<100000xf32, #tpu.memory_space<hbm>> -> memref<100000xf32, #tpu.memory_space<hbm>>
    %dma_start3A_115 = tpu.memref_slice %arg7[%dma_start3A_108] : memref<4x!tpu.dma_semaphore, #tpu.memory_space<semaphore_mem>> -> memref<1x!tpu.dma_semaphore, #tpu.memory_space<semaphore_mem>>
    %dma_start3A_116 = tpu.memref_squeeze %dma_start3A_115 : memref<1x!tpu.dma_semaphore, #tpu.memory_space<semaphore_mem>> -> memref<!tpu.dma_semaphore, #tpu.memory_space<semaphore_mem>>
    tpu.enqueue_indirect_dma source(%dma_start3A_114 : memref<100000xf32, #tpu.memory_space<hbm>>) target(%dma_start3A_110 : memref<256xf32, #tpu.memory_space<vmem>>) offsets(%dma_start3A_112 : memref<256xi32, #tpu.memory_space<vmem>>) semaphore(%dma_start3A_116 : memref<!tpu.dma_semaphore, #tpu.memory_space<semaphore_mem>>)
    %dma_wait3A_117 = arith.constant 0 : i32
    %dma_wait3A_118 = arith.constant 0 : i32
    %dma_wait3A_119 = tpu.memref_slice %arg6[%dma_wait3A_118] : memref<1024xf32, #tpu.memory_space<vmem>> -> memref<256xf32, #tpu.memory_space<vmem>>
    %dma_wait3A_120 = arith.constant 0 : i32
    %dma_wait3A_121 = tpu.memref_slice %arg5[%dma_wait3A_120] : memref<1024xi32, #tpu.memory_space<vmem>> -> memref<256xi32, #tpu.memory_space<vmem>>
    %dma_wait3A_122 = arith.constant 0 : i32
    %dma_wait3A_123 = tpu.memref_slice %arg3[%dma_wait3A_122] : memref<100000xf32, #tpu.memory_space<hbm>> -> memref<100000xf32, #tpu.memory_space<hbm>>
    %dma_wait3A_124 = tpu.memref_slice %arg7[%dma_wait3A_117] : memref<4x!tpu.dma_semaphore, #tpu.memory_space<semaphore_mem>> -> memref<1x!tpu.dma_semaphore, #tpu.memory_space<semaphore_mem>>
    %dma_wait3A_125 = tpu.memref_squeeze %dma_wait3A_124 : memref<1x!tpu.dma_semaphore, #tpu.memory_space<semaphore_mem>> -> memref<!tpu.dma_semaphore, #tpu.memory_space<semaphore_mem>>
    tpu.wait_indirect_dma semaphore(%dma_wait3A_125 : memref<!tpu.dma_semaphore, #tpu.memory_space<semaphore_mem>>) src(%dma_wait3A_123 : memref<100000xf32, #tpu.memory_space<hbm>>) dst(%dma_wait3A_119 : memref<256xf32, #tpu.memory_space<vmem>>)
    %get3A = arith.constant 0 : index
    %get3A_126 = tpu.vector_load %arg6[%get3A] {strides = array<i32>} : memref<1024xf32, #tpu.memory_space<vmem>>, vector<16xf32>,
    %get3A_127 = vector.shape_cast %get3A_126 : vector<16xf32> to vector<16xf32>
    %exp3A = math.exp %get3A_127 : vector<16xf32>
    %swap3A = arith.constant 0 : index
    %swap3A_128 = tpu.vector_load %arg6[%swap3A] {strides = array<i32>} : memref<1024xf32, #tpu.memory_space<vmem>>, vector<16xf32>,
    %swap3A_129 = vector.shape_cast %swap3A_128 : vector<16xf32> to vector<16xf32>
    %swap3A_130 = vector.shape_cast %exp3A : vector<16xf32> to vector<16xf32>
    tpu.vector_store %arg6[%swap3A], %swap3A_130 {strides = array<i32>} : memref<1024xf32, #tpu.memory_space<vmem>>, vector<16xf32>,
    %get3A_131 = arith.constant 16 : index
    %get3A_132 = tpu.vector_load %arg6[%get3A_131] {strides = array<i32>} : memref<1024xf32, #tpu.memory_space<vmem>>, vector<16xf32>,
    %get3A_133 = vector.shape_cast %get3A_132 : vector<16xf32> to vector<16xf32>
    %exp3A_134 = math.exp %get3A_133 : vector<16xf32>
    %swap3A_135 = arith.constant 16 : index
    %swap3A_136 = tpu.vector_load %arg6[%swap3A_135] {strides = array<i32>} : memref<1024xf32, #tpu.memory_space<vmem>>, vector<16xf32>,
    %swap3A_137 = vector.shape_cast %swap3A_136 : vector<16xf32> to vector<16xf32>
    %swap3A_138 = vector.shape_cast %exp3A_134 : vector<16xf32> to vector<16xf32>
    tpu.vector_store %arg6[%swap3A_135], %swap3A_138 {strides = array<i32>} : memref<1024xf32, #tpu.memory_space<vmem>>, vector<16xf32>,
    %get3A_139 = arith.constant 32 : index
    %get3A_140 = tpu.vector_load %arg6[%get3A_139] {strides = array<i32>} : memref<1024xf32, #tpu.memory_space<vmem>>, vector<16xf32>,
    %get3A_141 = vector.shape_cast %get3A_140 : vector<16xf32> to vector<16xf32>
    %exp3A_142 = math.exp %get3A_141 : vector<16xf32>
    %swap3A_143 = arith.constant 32 : index
    %swap3A_144 = tpu.vector_load %arg6[%swap3A_143] {strides = array<i32>} : memref<1024xf32, #tpu.memory_space<vmem>>, vector<16xf32>,
    %swap3A_145 = vector.shape_cast %swap3A_144 : vector<16xf32> to vector<16xf32>
    %swap3A_146 = vector.shape_cast %exp3A_142 : vector<16xf32> to vector<16xf32>
    tpu.vector_store %arg6[%swap3A_143], %swap3A_146 {strides = array<i32>} : memref<1024xf32, #tpu.memory_space<vmem>>, vector<16xf32>,
    %get3A_147 = arith.constant 48 : index
    %get3A_148 = tpu.vector_load %arg6[%get3A_147] {strides = array<i32>} : memref<1024xf32, #tpu.memory_space<vmem>>, vector<16xf32>,
    %get3A_149 = vector.shape_cast %get3A_148 : vector<16xf32> to vector<16xf32>
    %exp3A_150 = math.exp %get3A_149 : vector<16xf32>
    %swap3A_151 = arith.constant 48 : index
    %swap3A_152 = tpu.vector_load %arg6[%swap3A_151] {strides = array<i32>} : memref<1024xf32, #tpu.memory_space<vmem>>, vector<16xf32>,
    %swap3A_153 = vector.shape_cast %swap3A_152 : vector<16xf32> to vector<16xf32>
    %swap3A_154 = vector.shape_cast %exp3A_150 : vector<16xf32> to vector<16xf32>
    tpu.vector_store %arg6[%swap3A_151], %swap3A_154 {strides = array<i32>} : memref<1024xf32, #tpu.memory_space<vmem>>, vector<16xf32>,
    %get3A_155 = arith.constant 64 : index
    %get3A_156 = tpu.vector_load %arg6[%get3A_155] {strides = array<i32>} : memref<1024xf32, #tpu.memory_space<vmem>>, vector<16xf32>,
    %get3A_157 = vector.shape_cast %get3A_156 : vector<16xf32> to vector<16xf32>
    %exp3A_158 = math.exp %get3A_157 : vector<16xf32>
    %swap3A_159 = arith.constant 64 : index
    %swap3A_160 = tpu.vector_load %arg6[%swap3A_159] {strides = array<i32>} : memref<1024xf32, #tpu.memory_space<vmem>>, vector<16xf32>,
    %swap3A_161 = vector.shape_cast %swap3A_160 : vector<16xf32> to vector<16xf32>
    %swap3A_162 = vector.shape_cast %exp3A_158 : vector<16xf32> to vector<16xf32>
    tpu.vector_store %arg6[%swap3A_159], %swap3A_162 {strides = array<i32>} : memref<1024xf32, #tpu.memory_space<vmem>>, vector<16xf32>,
    %get3A_163 = arith.constant 80 : index
    %get3A_164 = tpu.vector_load %arg6[%get3A_163] {strides = array<i32>} : memref<1024xf32, #tpu.memory_space<vmem>>, vector<16xf32>,
    %get3A_165 = vector.shape_cast %get3A_164 : vector<16xf32> to vector<16xf32>
    %exp3A_166 = math.exp %get3A_165 : vector<16xf32>
    %swap3A_167 = arith.constant 80 : index
    %swap3A_168 = tpu.vector_load %arg6[%swap3A_167] {strides = array<i32>} : memref<1024xf32, #tpu.memory_space<vmem>>, vector<16xf32>,
    %swap3A_169 = vector.shape_cast %swap3A_168 : vector<16xf32> to vector<16xf32>
    %swap3A_170 = vector.shape_cast %exp3A_166 : vector<16xf32> to vector<16xf32>
    tpu.vector_store %arg6[%swap3A_167], %swap3A_170 {strides = array<i32>} : memref<1024xf32, #tpu.memory_space<vmem>>, vector<16xf32>,
    %get3A_171 = arith.constant 96 : index
    %get3A_172 = tpu.vector_load %arg6[%get3A_171] {strides = array<i32>} : memref<1024xf32, #tpu.memory_space<vmem>>, vector<16xf32>,
    %get3A_173 = vector.shape_cast %get3A_172 : vector<16xf32> to vector<16xf32>
    %exp3A_174 = math.exp %get3A_173 : vector<16xf32>
    %swap3A_175 = arith.constant 96 : index
    %swap3A_176 = tpu.vector_load %arg6[%swap3A_175] {strides = array<i32>} : memref<1024xf32, #tpu.memory_space<vmem>>, vector<16xf32>,
    %swap3A_177 = vector.shape_cast %swap3A_176 : vector<16xf32> to vector<16xf32>
    %swap3A_178 = vector.shape_cast %exp3A_174 : vector<16xf32> to vector<16xf32>
    tpu.vector_store %arg6[%swap3A_175], %swap3A_178 {strides = array<i32>} : memref<1024xf32, #tpu.memory_space<vmem>>, vector<16xf32>,
    %get3A_179 = arith.constant 112 : index
    %get3A_180 = tpu.vector_load %arg6[%get3A_179] {strides = array<i32>} : memref<1024xf32, #tpu.memory_space<vmem>>, vector<16xf32>,
    %get3A_181 = vector.shape_cast %get3A_180 : vector<16xf32> to vector<16xf32>
    %exp3A_182 = math.exp %get3A_181 : vector<16xf32>
    %swap3A_183 = arith.constant 112 : index
    %swap3A_184 = tpu.vector_load %arg6[%swap3A_183] {strides = array<i32>} : memref<1024xf32, #tpu.memory_space<vmem>>, vector<16xf32>,
    %swap3A_185 = vector.shape_cast %swap3A_184 : vector<16xf32> to vector<16xf32>
    %swap3A_186 = vector.shape_cast %exp3A_182 : vector<16xf32> to vector<16xf32>
    tpu.vector_store %arg6[%swap3A_183], %swap3A_186 {strides = array<i32>} : memref<1024xf32, #tpu.memory_space<vmem>>, vector<16xf32>,
    %get3A_187 = arith.constant 128 : index
    %get3A_188 = tpu.vector_load %arg6[%get3A_187] {strides = array<i32>} : memref<1024xf32, #tpu.memory_space<vmem>>, vector<16xf32>,
    %get3A_189 = vector.shape_cast %get3A_188 : vector<16xf32> to vector<16xf32>
    %exp3A_190 = math.exp %get3A_189 : vector<16xf32>
    %swap3A_191 = arith.constant 128 : index
    %swap3A_192 = tpu.vector_load %arg6[%swap3A_191] {strides = array<i32>} : memref<1024xf32, #tpu.memory_space<vmem>>, vector<16xf32>,
    %swap3A_193 = vector.shape_cast %swap3A_192 : vector<16xf32> to vector<16xf32>
    %swap3A_194 = vector.shape_cast %exp3A_190 : vector<16xf32> to vector<16xf32>
    tpu.vector_store %arg6[%swap3A_191], %swap3A_194 {strides = array<i32>} : memref<1024xf32, #tpu.memory_space<vmem>>, vector<16xf32>,
    %get3A_195 = arith.constant 144 : index
    %get3A_196 = tpu.vector_load %arg6[%get3A_195] {strides = array<i32>} : memref<1024xf32, #tpu.memory_space<vmem>>, vector<16xf32>,
    %get3A_197 = vector.shape_cast %get3A_196 : vector<16xf32> to vector<16xf32>
    %exp3A_198 = math.exp %get3A_197 : vector<16xf32>
    %swap3A_199 = arith.constant 144 : index
    %swap3A_200 = tpu.vector_load %arg6[%swap3A_199] {strides = array<i32>} : memref<1024xf32, #tpu.memory_space<vmem>>, vector<16xf32>,
    %swap3A_201 = vector.shape_cast %swap3A_200 : vector<16xf32> to vector<16xf32>
    %swap3A_202 = vector.shape_cast %exp3A_198 : vector<16xf32> to vector<16xf32>
    tpu.vector_store %arg6[%swap3A_199], %swap3A_202 {strides = array<i32>} : memref<1024xf32, #tpu.memory_space<vmem>>, vector<16xf32>,
    %get3A_203 = arith.constant 160 : index
    %get3A_204 = tpu.vector_load %arg6[%get3A_203] {strides = array<i32>} : memref<1024xf32, #tpu.memory_space<vmem>>, vector<16xf32>,
    %get3A_205 = vector.shape_cast %get3A_204 : vector<16xf32> to vector<16xf32>
    %exp3A_206 = math.exp %get3A_205 : vector<16xf32>
    %swap3A_207 = arith.constant 160 : index
    %swap3A_208 = tpu.vector_load %arg6[%swap3A_207] {strides = array<i32>} : memref<1024xf32, #tpu.memory_space<vmem>>, vector<16xf32>,
    %swap3A_209 = vector.shape_cast %swap3A_208 : vector<16xf32> to vector<16xf32>
    %swap3A_210 = vector.shape_cast %exp3A_206 : vector<16xf32> to vector<16xf32>
    tpu.vector_store %arg6[%swap3A_207], %swap3A_210 {strides = array<i32>} : memref<1024xf32, #tpu.memory_space<vmem>>, vector<16xf32>,
    %get3A_211 = arith.constant 176 : index
    %get3A_212 = tpu.vector_load %arg6[%get3A_211] {strides = array<i32>} : memref<1024xf32, #tpu.memory_space<vmem>>, vector<16xf32>,
    %get3A_213 = vector.shape_cast %get3A_212 : vector<16xf32> to vector<16xf32>
    %exp3A_214 = math.exp %get3A_213 : vector<16xf32>
    %swap3A_215 = arith.constant 176 : index
    %swap3A_216 = tpu.vector_load %arg6[%swap3A_215] {strides = array<i32>} : memref<1024xf32, #tpu.memory_space<vmem>>, vector<16xf32>,
    %swap3A_217 = vector.shape_cast %swap3A_216 : vector<16xf32> to vector<16xf32>
    %swap3A_218 = vector.shape_cast %exp3A_214 : vector<16xf32> to vector<16xf32>
    tpu.vector_store %arg6[%swap3A_215], %swap3A_218 {strides = array<i32>} : memref<1024xf32, #tpu.memory_space<vmem>>, vector<16xf32>,
    %get3A_219 = arith.constant 192 : index
    %get3A_220 = tpu.vector_load %arg6[%get3A_219] {strides = array<i32>} : memref<1024xf32, #tpu.memory_space<vmem>>, vector<16xf32>,
    %get3A_221 = vector.shape_cast %get3A_220 : vector<16xf32> to vector<16xf32>
    %exp3A_222 = math.exp %get3A_221 : vector<16xf32>
    %swap3A_223 = arith.constant 192 : index
    %swap3A_224 = tpu.vector_load %arg6[%swap3A_223] {strides = array<i32>} : memref<1024xf32, #tpu.memory_space<vmem>>, vector<16xf32>,
    %swap3A_225 = vector.shape_cast %swap3A_224 : vector<16xf32> to vector<16xf32>
    %swap3A_226 = vector.shape_cast %exp3A_222 : vector<16xf32> to vector<16xf32>
    tpu.vector_store %arg6[%swap3A_223], %swap3A_226 {strides = array<i32>} : memref<1024xf32, #tpu.memory_space<vmem>>, vector<16xf32>,
    %get3A_227 = arith.constant 208 : index
    %get3A_228 = tpu.vector_load %arg6[%get3A_227] {strides = array<i32>} : memref<1024xf32, #tpu.memory_space<vmem>>, vector<16xf32>,
    %get3A_229 = vector.shape_cast %get3A_228 : vector<16xf32> to vector<16xf32>
    %exp3A_230 = math.exp %get3A_229 : vector<16xf32>
    %swap3A_231 = arith.constant 208 : index
    %swap3A_232 = tpu.vector_load %arg6[%swap3A_231] {strides = array<i32>} : memref<1024xf32, #tpu.memory_space<vmem>>, vector<16xf32>,
    %swap3A_233 = vector.shape_cast %swap3A_232 : vector<16xf32> to vector<16xf32>
    %swap3A_234 = vector.shape_cast %exp3A_230 : vector<16xf32> to vector<16xf32>
    tpu.vector_store %arg6[%swap3A_231], %swap3A_234 {strides = array<i32>} : memref<1024xf32, #tpu.memory_space<vmem>>, vector<16xf32>,
    %get3A_235 = arith.constant 224 : index
    %get3A_236 = tpu.vector_load %arg6[%get3A_235] {strides = array<i32>} : memref<1024xf32, #tpu.memory_space<vmem>>, vector<16xf32>,
    %get3A_237 = vector.shape_cast %get3A_236 : vector<16xf32> to vector<16xf32>
    %exp3A_238 = math.exp %get3A_237 : vector<16xf32>
    %swap3A_239 = arith.constant 224 : index
    %swap3A_240 = tpu.vector_load %arg6[%swap3A_239] {strides = array<i32>} : memref<1024xf32, #tpu.memory_space<vmem>>, vector<16xf32>,
    %swap3A_241 = vector.shape_cast %swap3A_240 : vector<16xf32> to vector<16xf32>
    %swap3A_242 = vector.shape_cast %exp3A_238 : vector<16xf32> to vector<16xf32>
    tpu.vector_store %arg6[%swap3A_239], %swap3A_242 {strides = array<i32>} : memref<1024xf32, #tpu.memory_space<vmem>>, vector<16xf32>,
    %get3A_243 = arith.constant 240 : index
    %get3A_244 = tpu.vector_load %arg6[%get3A_243] {strides = array<i32>} : memref<1024xf32, #tpu.memory_space<vmem>>, vector<16xf32>,
    %get3A_245 = vector.shape_cast %get3A_244 : vector<16xf32> to vector<16xf32>
    %exp3A_246 = math.exp %get3A_245 : vector<16xf32>
    %swap3A_247 = arith.constant 240 : index
    %swap3A_248 = tpu.vector_load %arg6[%swap3A_247] {strides = array<i32>} : memref<1024xf32, #tpu.memory_space<vmem>>, vector<16xf32>,
    %swap3A_249 = vector.shape_cast %swap3A_248 : vector<16xf32> to vector<16xf32>
    %swap3A_250 = vector.shape_cast %exp3A_246 : vector<16xf32> to vector<16xf32>
    tpu.vector_store %arg6[%swap3A_247], %swap3A_250 {strides = array<i32>} : memref<1024xf32, #tpu.memory_space<vmem>>, vector<16xf32>,
    %add3A_251 = arith.constant 0 : i32
    %add3A_252 = arith.addi %mul3A_2, %add3A_251 : i32
    %dma_start3A_253 = arith.constant 0 : i32
    %dma_start3A_254 = tpu.memref_slice %arg6[%dma_start3A_253] : memref<1024xf32, #tpu.memory_space<vmem>> -> memref<256xf32, #tpu.memory_space<vmem>>
    %dma_start3A_255 = tpu.memref_slice %arg4[%add3A_252] : memref<16384xf32, #tpu.memory_space<hbm>> -> memref<256xf32, #tpu.memory_space<hbm>>
    %dma_start3A_256 = tpu.memref_slice %arg4[%add3A_252] : memref<16384xf32, #tpu.memory_space<hbm>> -> memref<256xf32, #tpu.memory_space<hbm>>
    %dma_start3A_257 = arith.constant 0 : i32
    %dma_start3A_258 = tpu.memref_slice %arg6[%dma_start3A_257] : memref<1024xf32, #tpu.memory_space<vmem>> -> memref<256xf32, #tpu.memory_space<vmem>>
    tpu.enqueue_dma source(%dma_start3A_258 : memref<256xf32, #tpu.memory_space<vmem>>) target(%dma_start3A_256 : memref<256xf32, #tpu.memory_space<hbm>>) target_semaphore(%arg8 : memref<!tpu.dma_semaphore, #tpu.memory_space<semaphore_mem>>)
    %dma_wait3A_259 = arith.constant 1 : i32
    %dma_wait3A_260 = arith.constant 256 : i32
    %dma_wait3A_261 = tpu.memref_slice %arg6[%dma_wait3A_260] : memref<1024xf32, #tpu.memory_space<vmem>> -> memref<256xf32, #tpu.memory_space<vmem>>
    %dma_wait3A_262 = arith.constant 256 : i32
    %dma_wait3A_263 = tpu.memref_slice %arg5[%dma_wait3A_262] : memref<1024xi32, #tpu.memory_space<vmem>> -> memref<256xi32, #tpu.memory_space<vmem>>
    %dma_wait3A_264 = arith.constant 0 : i32
    %dma_wait3A_265 = tpu.memref_slice %arg3[%dma_wait3A_264] : memref<100000xf32, #tpu.memory_space<hbm>> -> memref<100000xf32, #tpu.memory_space<hbm>>
    %dma_wait3A_266 = tpu.memref_slice %arg7[%dma_wait3A_259] : memref<4x!tpu.dma_semaphore, #tpu.memory_space<semaphore_mem>> -> memref<1x!tpu.dma_semaphore, #tpu.memory_space<semaphore_mem>>
    %dma_wait3A_267 = tpu.memref_squeeze %dma_wait3A_266 : memref<1x!tpu.dma_semaphore, #tpu.memory_space<semaphore_mem>> -> memref<!tpu.dma_semaphore, #tpu.memory_space<semaphore_mem>>
    tpu.wait_indirect_dma semaphore(%dma_wait3A_267 : memref<!tpu.dma_semaphore, #tpu.memory_space<semaphore_mem>>) src(%dma_wait3A_265 : memref<100000xf32, #tpu.memory_space<hbm>>) dst(%dma_wait3A_261 : memref<256xf32, #tpu.memory_space<vmem>>)
    %get3A_268 = arith.constant 256 : index
    %get3A_269 = tpu.vector_load %arg6[%get3A_268] {strides = array<i32>} : memref<1024xf32, #tpu.memory_space<vmem>>, vector<16xf32>,
    %get3A_270 = vector.shape_cast %get3A_269 : vector<16xf32> to vector<16xf32>
    %exp3A_271 = math.exp %get3A_270 : vector<16xf32>
    %swap3A_272 = arith.constant 256 : index
    %swap3A_273 = tpu.vector_load %arg6[%swap3A_272] {strides = array<i32>} : memref<1024xf32, #tpu.memory_space<vmem>>, vector<16xf32>,
    %swap3A_274 = vector.shape_cast %swap3A_273 : vector<16xf32> to vector<16xf32>
    %swap3A_275 = vector.shape_cast %exp3A_271 : vector<16xf32> to vector<16xf32>
    tpu.vector_store %arg6[%swap3A_272], %swap3A_275 {strides = array<i32>} : memref<1024xf32, #tpu.memory_space<vmem>>, vector<16xf32>,
    %get3A_276 = arith.constant 272 : index
    %get3A_277 = tpu.vector_load %arg6[%get3A_276] {strides = array<i32>} : memref<1024xf32, #tpu.memory_space<vmem>>, vector<16xf32>,
    %get3A_278 = vector.shape_cast %get3A_277 : vector<16xf32> to vector<16xf32>
    %exp3A_279 = math.exp %get3A_278 : vector<16xf32>
    %swap3A_280 = arith.constant 272 : index
    %swap3A_281 = tpu.vector_load %arg6[%swap3A_280] {strides = array<i32>} : memref<1024xf32, #tpu.memory_space<vmem>>, vector<16xf32>,
    %swap3A_282 = vector.shape_cast %swap3A_281 : vector<16xf32> to vector<16xf32>
    %swap3A_283 = vector.shape_cast %exp3A_279 : vector<16xf32> to vector<16xf32>
    tpu.vector_store %arg6[%swap3A_280], %swap3A_283 {strides = array<i32>} : memref<1024xf32, #tpu.memory_space<vmem>>, vector<16xf32>,
    %get3A_284 = arith.constant 288 : index
    %get3A_285 = tpu.vector_load %arg6[%get3A_284] {strides = array<i32>} : memref<1024xf32, #tpu.memory_space<vmem>>, vector<16xf32>,
    %get3A_286 = vector.shape_cast %get3A_285 : vector<16xf32> to vector<16xf32>
    %exp3A_287 = math.exp %get3A_286 : vector<16xf32>
    %swap3A_288 = arith.constant 288 : index
    %swap3A_289 = tpu.vector_load %arg6[%swap3A_288] {strides = array<i32>} : memref<1024xf32, #tpu.memory_space<vmem>>, vector<16xf32>,
    %swap3A_290 = vector.shape_cast %swap3A_289 : vector<16xf32> to vector<16xf32>
    %swap3A_291 = vector.shape_cast %exp3A_287 : vector<16xf32> to vector<16xf32>
    tpu.vector_store %arg6[%swap3A_288], %swap3A_291 {strides = array<i32>} : memref<1024xf32, #tpu.memory_space<vmem>>, vector<16xf32>,
    %get3A_292 = arith.constant 304 : index
    %get3A_293 = tpu.vector_load %arg6[%get3A_292] {strides = array<i32>} : memref<1024xf32, #tpu.memory_space<vmem>>, vector<16xf32>,
    %get3A_294 = vector.shape_cast %get3A_293 : vector<16xf32> to vector<16xf32>
    %exp3A_295 = math.exp %get3A_294 : vector<16xf32>
    %swap3A_296 = arith.constant 304 : index
    %swap3A_297 = tpu.vector_load %arg6[%swap3A_296] {strides = array<i32>} : memref<1024xf32, #tpu.memory_space<vmem>>, vector<16xf32>,
    %swap3A_298 = vector.shape_cast %swap3A_297 : vector<16xf32> to vector<16xf32>
    %swap3A_299 = vector.shape_cast %exp3A_295 : vector<16xf32> to vector<16xf32>
    tpu.vector_store %arg6[%swap3A_296], %swap3A_299 {strides = array<i32>} : memref<1024xf32, #tpu.memory_space<vmem>>, vector<16xf32>,
    %get3A_300 = arith.constant 320 : index
    %get3A_301 = tpu.vector_load %arg6[%get3A_300] {strides = array<i32>} : memref<1024xf32, #tpu.memory_space<vmem>>, vector<16xf32>,
    %get3A_302 = vector.shape_cast %get3A_301 : vector<16xf32> to vector<16xf32>
    %exp3A_303 = math.exp %get3A_302 : vector<16xf32>
    %swap3A_304 = arith.constant 320 : index
    %swap3A_305 = tpu.vector_load %arg6[%swap3A_304] {strides = array<i32>} : memref<1024xf32, #tpu.memory_space<vmem>>, vector<16xf32>,
    %swap3A_306 = vector.shape_cast %swap3A_305 : vector<16xf32> to vector<16xf32>
    %swap3A_307 = vector.shape_cast %exp3A_303 : vector<16xf32> to vector<16xf32>
    tpu.vector_store %arg6[%swap3A_304], %swap3A_307 {strides = array<i32>} : memref<1024xf32, #tpu.memory_space<vmem>>, vector<16xf32>,
    %get3A_308 = arith.constant 336 : index
    %get3A_309 = tpu.vector_load %arg6[%get3A_308] {strides = array<i32>} : memref<1024xf32, #tpu.memory_space<vmem>>, vector<16xf32>,
    %get3A_310 = vector.shape_cast %get3A_309 : vector<16xf32> to vector<16xf32>
    %exp3A_311 = math.exp %get3A_310 : vector<16xf32>
    %swap3A_312 = arith.constant 336 : index
    %swap3A_313 = tpu.vector_load %arg6[%swap3A_312] {strides = array<i32>} : memref<1024xf32, #tpu.memory_space<vmem>>, vector<16xf32>,
    %swap3A_314 = vector.shape_cast %swap3A_313 : vector<16xf32> to vector<16xf32>
    %swap3A_315 = vector.shape_cast %exp3A_311 : vector<16xf32> to vector<16xf32>
    tpu.vector_store %arg6[%swap3A_312], %swap3A_315 {strides = array<i32>} : memref<1024xf32, #tpu.memory_space<vmem>>, vector<16xf32>,
    %get3A_316 = arith.constant 352 : index
    %get3A_317 = tpu.vector_load %arg6[%get3A_316] {strides = array<i32>} : memref<1024xf32, #tpu.memory_space<vmem>>, vector<16xf32>,
    %get3A_318 = vector.shape_cast %get3A_317 : vector<16xf32> to vector<16xf32>
    %exp3A_319 = math.exp %get3A_318 : vector<16xf32>
    %swap3A_320 = arith.constant 352 : index
    %swap3A_321 = tpu.vector_load %arg6[%swap3A_320] {strides = array<i32>} : memref<1024xf32, #tpu.memory_space<vmem>>, vector<16xf32>,
    %swap3A_322 = vector.shape_cast %swap3A_321 : vector<16xf32> to vector<16xf32>
    %swap3A_323 = vector.shape_cast %exp3A_319 : vector<16xf32> to vector<16xf32>
    tpu.vector_store %arg6[%swap3A_320], %swap3A_323 {strides = array<i32>} : memref<1024xf32, #tpu.memory_space<vmem>>, vector<16xf32>,
    %get3A_324 = arith.constant 368 : index
    %get3A_325 = tpu.vector_load %arg6[%get3A_324] {strides = array<i32>} : memref<1024xf32, #tpu.memory_space<vmem>>, vector<16xf32>,
    %get3A_326 = vector.shape_cast %get3A_325 : vector<16xf32> to vector<16xf32>
    %exp3A_327 = math.exp %get3A_326 : vector<16xf32>
    %swap3A_328 = arith.constant 368 : index
    %swap3A_329 = tpu.vector_load %arg6[%swap3A_328] {strides = array<i32>} : memref<1024xf32, #tpu.memory_space<vmem>>, vector<16xf32>,
    %swap3A_330 = vector.shape_cast %swap3A_329 : vector<16xf32> to vector<16xf32>
    %swap3A_331 = vector.shape_cast %exp3A_327 : vector<16xf32> to vector<16xf32>
    tpu.vector_store %arg6[%swap3A_328], %swap3A_331 {strides = array<i32>} : memref<1024xf32, #tpu.memory_space<vmem>>, vector<16xf32>,
    %get3A_332 = arith.constant 384 : index
    %get3A_333 = tpu.vector_load %arg6[%get3A_332] {strides = array<i32>} : memref<1024xf32, #tpu.memory_space<vmem>>, vector<16xf32>,
    %get3A_334 = vector.shape_cast %get3A_333 : vector<16xf32> to vector<16xf32>
    %exp3A_335 = math.exp %get3A_334 : vector<16xf32>
    %swap3A_336 = arith.constant 384 : index
    %swap3A_337 = tpu.vector_load %arg6[%swap3A_336] {strides = array<i32>} : memref<1024xf32, #tpu.memory_space<vmem>>, vector<16xf32>,
    %swap3A_338 = vector.shape_cast %swap3A_337 : vector<16xf32> to vector<16xf32>
    %swap3A_339 = vector.shape_cast %exp3A_335 : vector<16xf32> to vector<16xf32>
    tpu.vector_store %arg6[%swap3A_336], %swap3A_339 {strides = array<i32>} : memref<1024xf32, #tpu.memory_space<vmem>>, vector<16xf32>,
    %get3A_340 = arith.constant 400 : index
    %get3A_341 = tpu.vector_load %arg6[%get3A_340] {strides = array<i32>} : memref<1024xf32, #tpu.memory_space<vmem>>, vector<16xf32>,
    %get3A_342 = vector.shape_cast %get3A_341 : vector<16xf32> to vector<16xf32>
    %exp3A_343 = math.exp %get3A_342 : vector<16xf32>
    %swap3A_344 = arith.constant 400 : index
    %swap3A_345 = tpu.vector_load %arg6[%swap3A_344] {strides = array<i32>} : memref<1024xf32, #tpu.memory_space<vmem>>, vector<16xf32>,
    %swap3A_346 = vector.shape_cast %swap3A_345 : vector<16xf32> to vector<16xf32>
    %swap3A_347 = vector.shape_cast %exp3A_343 : vector<16xf32> to vector<16xf32>
    tpu.vector_store %arg6[%swap3A_344], %swap3A_347 {strides = array<i32>} : memref<1024xf32, #tpu.memory_space<vmem>>, vector<16xf32>,
    %get3A_348 = arith.constant 416 : index
    %get3A_349 = tpu.vector_load %arg6[%get3A_348] {strides = array<i32>} : memref<1024xf32, #tpu.memory_space<vmem>>, vector<16xf32>,
    %get3A_350 = vector.shape_cast %get3A_349 : vector<16xf32> to vector<16xf32>
    %exp3A_351 = math.exp %get3A_350 : vector<16xf32>
    %swap3A_352 = arith.constant 416 : index
    %swap3A_353 = tpu.vector_load %arg6[%swap3A_352] {strides = array<i32>} : memref<1024xf32, #tpu.memory_space<vmem>>, vector<16xf32>,
    %swap3A_354 = vector.shape_cast %swap3A_353 : vector<16xf32> to vector<16xf32>
    %swap3A_355 = vector.shape_cast %exp3A_351 : vector<16xf32> to vector<16xf32>
    tpu.vector_store %arg6[%swap3A_352], %swap3A_355 {strides = array<i32>} : memref<1024xf32, #tpu.memory_space<vmem>>, vector<16xf32>,
    %get3A_356 = arith.constant 432 : index
    %get3A_357 = tpu.vector_load %arg6[%get3A_356] {strides = array<i32>} : memref<1024xf32, #tpu.memory_space<vmem>>, vector<16xf32>,
    %get3A_358 = vector.shape_cast %get3A_357 : vector<16xf32> to vector<16xf32>
    %exp3A_359 = math.exp %get3A_358 : vector<16xf32>
    %swap3A_360 = arith.constant 432 : index
    %swap3A_361 = tpu.vector_load %arg6[%swap3A_360] {strides = array<i32>} : memref<1024xf32, #tpu.memory_space<vmem>>, vector<16xf32>,
    %swap3A_362 = vector.shape_cast %swap3A_361 : vector<16xf32> to vector<16xf32>
    %swap3A_363 = vector.shape_cast %exp3A_359 : vector<16xf32> to vector<16xf32>
    tpu.vector_store %arg6[%swap3A_360], %swap3A_363 {strides = array<i32>} : memref<1024xf32, #tpu.memory_space<vmem>>, vector<16xf32>,
    %get3A_364 = arith.constant 448 : index
    %get3A_365 = tpu.vector_load %arg6[%get3A_364] {strides = array<i32>} : memref<1024xf32, #tpu.memory_space<vmem>>, vector<16xf32>,
    %get3A_366 = vector.shape_cast %get3A_365 : vector<16xf32> to vector<16xf32>
    %exp3A_367 = math.exp %get3A_366 : vector<16xf32>
    %swap3A_368 = arith.constant 448 : index
    %swap3A_369 = tpu.vector_load %arg6[%swap3A_368] {strides = array<i32>} : memref<1024xf32, #tpu.memory_space<vmem>>, vector<16xf32>,
    %swap3A_370 = vector.shape_cast %swap3A_369 : vector<16xf32> to vector<16xf32>
    %swap3A_371 = vector.shape_cast %exp3A_367 : vector<16xf32> to vector<16xf32>
    tpu.vector_store %arg6[%swap3A_368], %swap3A_371 {strides = array<i32>} : memref<1024xf32, #tpu.memory_space<vmem>>, vector<16xf32>,
    %get3A_372 = arith.constant 464 : index
    %get3A_373 = tpu.vector_load %arg6[%get3A_372] {strides = array<i32>} : memref<1024xf32, #tpu.memory_space<vmem>>, vector<16xf32>,
    %get3A_374 = vector.shape_cast %get3A_373 : vector<16xf32> to vector<16xf32>
    %exp3A_375 = math.exp %get3A_374 : vector<16xf32>
    %swap3A_376 = arith.constant 464 : index
    %swap3A_377 = tpu.vector_load %arg6[%swap3A_376] {strides = array<i32>} : memref<1024xf32, #tpu.memory_space<vmem>>, vector<16xf32>,
    %swap3A_378 = vector.shape_cast %swap3A_377 : vector<16xf32> to vector<16xf32>
    %swap3A_379 = vector.shape_cast %exp3A_375 : vector<16xf32> to vector<16xf32>
    tpu.vector_store %arg6[%swap3A_376], %swap3A_379 {strides = array<i32>} : memref<1024xf32, #tpu.memory_space<vmem>>, vector<16xf32>,
    %get3A_380 = arith.constant 480 : index
    %get3A_381 = tpu.vector_load %arg6[%get3A_380] {strides = array<i32>} : memref<1024xf32, #tpu.memory_space<vmem>>, vector<16xf32>,
    %get3A_382 = vector.shape_cast %get3A_381 : vector<16xf32> to vector<16xf32>
    %exp3A_383 = math.exp %get3A_382 : vector<16xf32>
    %swap3A_384 = arith.constant 480 : index
    %swap3A_385 = tpu.vector_load %arg6[%swap3A_384] {strides = array<i32>} : memref<1024xf32, #tpu.memory_space<vmem>>, vector<16xf32>,
    %swap3A_386 = vector.shape_cast %swap3A_385 : vector<16xf32> to vector<16xf32>
    %swap3A_387 = vector.shape_cast %exp3A_383 : vector<16xf32> to vector<16xf32>
    tpu.vector_store %arg6[%swap3A_384], %swap3A_387 {strides = array<i32>} : memref<1024xf32, #tpu.memory_space<vmem>>, vector<16xf32>,
    %get3A_388 = arith.constant 496 : index
    %get3A_389 = tpu.vector_load %arg6[%get3A_388] {strides = array<i32>} : memref<1024xf32, #tpu.memory_space<vmem>>, vector<16xf32>,
    %get3A_390 = vector.shape_cast %get3A_389 : vector<16xf32> to vector<16xf32>
    %exp3A_391 = math.exp %get3A_390 : vector<16xf32>
    %swap3A_392 = arith.constant 496 : index
    %swap3A_393 = tpu.vector_load %arg6[%swap3A_392] {strides = array<i32>} : memref<1024xf32, #tpu.memory_space<vmem>>, vector<16xf32>,
    %swap3A_394 = vector.shape_cast %swap3A_393 : vector<16xf32> to vector<16xf32>
    %swap3A_395 = vector.shape_cast %exp3A_391 : vector<16xf32> to vector<16xf32>
    tpu.vector_store %arg6[%swap3A_392], %swap3A_395 {strides = array<i32>} : memref<1024xf32, #tpu.memory_space<vmem>>, vector<16xf32>,
    %add3A_396 = arith.constant 256 : i32
    %add3A_397 = arith.addi %mul3A_2, %add3A_396 : i32
    %dma_start3A_398 = arith.constant 256 : i32
    %dma_start3A_399 = tpu.memref_slice %arg6[%dma_start3A_398] : memref<1024xf32, #tpu.memory_space<vmem>> -> memref<256xf32, #tpu.memory_space<vmem>>
    %dma_start3A_400 = tpu.memref_slice %arg4[%add3A_397] : memref<16384xf32, #tpu.memory_space<hbm>> -> memref<256xf32, #tpu.memory_space<hbm>>
    %dma_start3A_401 = tpu.memref_slice %arg4[%add3A_397] : memref<16384xf32, #tpu.memory_space<hbm>> -> memref<256xf32, #tpu.memory_space<hbm>>
    %dma_start3A_402 = arith.constant 256 : i32
    %dma_start3A_403 = tpu.memref_slice %arg6[%dma_start3A_402] : memref<1024xf32, #tpu.memory_space<vmem>> -> memref<256xf32, #tpu.memory_space<vmem>>
    tpu.enqueue_dma source(%dma_start3A_403 : memref<256xf32, #tpu.memory_space<vmem>>) target(%dma_start3A_401 : memref<256xf32, #tpu.memory_space<hbm>>) target_semaphore(%arg8 : memref<!tpu.dma_semaphore, #tpu.memory_space<semaphore_mem>>)
    %dma_wait3A_404 = arith.constant 2 : i32
    %dma_wait3A_405 = arith.constant 512 : i32
    %dma_wait3A_406 = tpu.memref_slice %arg6[%dma_wait3A_405] : memref<1024xf32, #tpu.memory_space<vmem>> -> memref<256xf32, #tpu.memory_space<vmem>>
    %dma_wait3A_407 = arith.constant 512 : i32
    %dma_wait3A_408 = tpu.memref_slice %arg5[%dma_wait3A_407] : memref<1024xi32, #tpu.memory_space<vmem>> -> memref<256xi32, #tpu.memory_space<vmem>>
    %dma_wait3A_409 = arith.constant 0 : i32
    %dma_wait3A_410 = tpu.memref_slice %arg3[%dma_wait3A_409] : memref<100000xf32, #tpu.memory_space<hbm>> -> memref<100000xf32, #tpu.memory_space<hbm>>
    %dma_wait3A_411 = tpu.memref_slice %arg7[%dma_wait3A_404] : memref<4x!tpu.dma_semaphore, #tpu.memory_space<semaphore_mem>> -> memref<1x!tpu.dma_semaphore, #tpu.memory_space<semaphore_mem>>
    %dma_wait3A_412 = tpu.memref_squeeze %dma_wait3A_411 : memref<1x!tpu.dma_semaphore, #tpu.memory_space<semaphore_mem>> -> memref<!tpu.dma_semaphore, #tpu.memory_space<semaphore_mem>>
    tpu.wait_indirect_dma semaphore(%dma_wait3A_412 : memref<!tpu.dma_semaphore, #tpu.memory_space<semaphore_mem>>) src(%dma_wait3A_410 : memref<100000xf32, #tpu.memory_space<hbm>>) dst(%dma_wait3A_406 : memref<256xf32, #tpu.memory_space<vmem>>)
    %get3A_413 = arith.constant 512 : index
    %get3A_414 = tpu.vector_load %arg6[%get3A_413] {strides = array<i32>} : memref<1024xf32, #tpu.memory_space<vmem>>, vector<16xf32>,
    %get3A_415 = vector.shape_cast %get3A_414 : vector<16xf32> to vector<16xf32>
    %exp3A_416 = math.exp %get3A_415 : vector<16xf32>
    %swap3A_417 = arith.constant 512 : index
    %swap3A_418 = tpu.vector_load %arg6[%swap3A_417] {strides = array<i32>} : memref<1024xf32, #tpu.memory_space<vmem>>, vector<16xf32>,
    %swap3A_419 = vector.shape_cast %swap3A_418 : vector<16xf32> to vector<16xf32>
    %swap3A_420 = vector.shape_cast %exp3A_416 : vector<16xf32> to vector<16xf32>
    tpu.vector_store %arg6[%swap3A_417], %swap3A_420 {strides = array<i32>} : memref<1024xf32, #tpu.memory_space<vmem>>, vector<16xf32>,
    %get3A_421 = arith.constant 528 : index
    %get3A_422 = tpu.vector_load %arg6[%get3A_421] {strides = array<i32>} : memref<1024xf32, #tpu.memory_space<vmem>>, vector<16xf32>,
    %get3A_423 = vector.shape_cast %get3A_422 : vector<16xf32> to vector<16xf32>
    %exp3A_424 = math.exp %get3A_423 : vector<16xf32>
    %swap3A_425 = arith.constant 528 : index
    %swap3A_426 = tpu.vector_load %arg6[%swap3A_425] {strides = array<i32>} : memref<1024xf32, #tpu.memory_space<vmem>>, vector<16xf32>,
    %swap3A_427 = vector.shape_cast %swap3A_426 : vector<16xf32> to vector<16xf32>
    %swap3A_428 = vector.shape_cast %exp3A_424 : vector<16xf32> to vector<16xf32>
    tpu.vector_store %arg6[%swap3A_425], %swap3A_428 {strides = array<i32>} : memref<1024xf32, #tpu.memory_space<vmem>>, vector<16xf32>,
    %get3A_429 = arith.constant 544 : index
    %get3A_430 = tpu.vector_load %arg6[%get3A_429] {strides = array<i32>} : memref<1024xf32, #tpu.memory_space<vmem>>, vector<16xf32>,
    %get3A_431 = vector.shape_cast %get3A_430 : vector<16xf32> to vector<16xf32>
    %exp3A_432 = math.exp %get3A_431 : vector<16xf32>
    %swap3A_433 = arith.constant 544 : index
    %swap3A_434 = tpu.vector_load %arg6[%swap3A_433] {strides = array<i32>} : memref<1024xf32, #tpu.memory_space<vmem>>, vector<16xf32>,
    %swap3A_435 = vector.shape_cast %swap3A_434 : vector<16xf32> to vector<16xf32>
    %swap3A_436 = vector.shape_cast %exp3A_432 : vector<16xf32> to vector<16xf32>
    tpu.vector_store %arg6[%swap3A_433], %swap3A_436 {strides = array<i32>} : memref<1024xf32, #tpu.memory_space<vmem>>, vector<16xf32>,
    %get3A_437 = arith.constant 560 : index
    %get3A_438 = tpu.vector_load %arg6[%get3A_437] {strides = array<i32>} : memref<1024xf32, #tpu.memory_space<vmem>>, vector<16xf32>,
    %get3A_439 = vector.shape_cast %get3A_438 : vector<16xf32> to vector<16xf32>
    %exp3A_440 = math.exp %get3A_439 : vector<16xf32>
    %swap3A_441 = arith.constant 560 : index
    %swap3A_442 = tpu.vector_load %arg6[%swap3A_441] {strides = array<i32>} : memref<1024xf32, #tpu.memory_space<vmem>>, vector<16xf32>,
    %swap3A_443 = vector.shape_cast %swap3A_442 : vector<16xf32> to vector<16xf32>
    %swap3A_444 = vector.shape_cast %exp3A_440 : vector<16xf32> to vector<16xf32>
    tpu.vector_store %arg6[%swap3A_441], %swap3A_444 {strides = array<i32>} : memref<1024xf32, #tpu.memory_space<vmem>>, vector<16xf32>,
    %get3A_445 = arith.constant 576 : index
    %get3A_446 = tpu.vector_load %arg6[%get3A_445] {strides = array<i32>} : memref<1024xf32, #tpu.memory_space<vmem>>, vector<16xf32>,
    %get3A_447 = vector.shape_cast %get3A_446 : vector<16xf32> to vector<16xf32>
    %exp3A_448 = math.exp %get3A_447 : vector<16xf32>
    %swap3A_449 = arith.constant 576 : index
    %swap3A_450 = tpu.vector_load %arg6[%swap3A_449] {strides = array<i32>} : memref<1024xf32, #tpu.memory_space<vmem>>, vector<16xf32>,
    %swap3A_451 = vector.shape_cast %swap3A_450 : vector<16xf32> to vector<16xf32>
    %swap3A_452 = vector.shape_cast %exp3A_448 : vector<16xf32> to vector<16xf32>
    tpu.vector_store %arg6[%swap3A_449], %swap3A_452 {strides = array<i32>} : memref<1024xf32, #tpu.memory_space<vmem>>, vector<16xf32>,
    %get3A_453 = arith.constant 592 : index
    %get3A_454 = tpu.vector_load %arg6[%get3A_453] {strides = array<i32>} : memref<1024xf32, #tpu.memory_space<vmem>>, vector<16xf32>,
    %get3A_455 = vector.shape_cast %get3A_454 : vector<16xf32> to vector<16xf32>
    %exp3A_456 = math.exp %get3A_455 : vector<16xf32>
    %swap3A_457 = arith.constant 592 : index
    %swap3A_458 = tpu.vector_load %arg6[%swap3A_457] {strides = array<i32>} : memref<1024xf32, #tpu.memory_space<vmem>>, vector<16xf32>,
    %swap3A_459 = vector.shape_cast %swap3A_458 : vector<16xf32> to vector<16xf32>
    %swap3A_460 = vector.shape_cast %exp3A_456 : vector<16xf32> to vector<16xf32>
    tpu.vector_store %arg6[%swap3A_457], %swap3A_460 {strides = array<i32>} : memref<1024xf32, #tpu.memory_space<vmem>>, vector<16xf32>,
    %get3A_461 = arith.constant 608 : index
    %get3A_462 = tpu.vector_load %arg6[%get3A_461] {strides = array<i32>} : memref<1024xf32, #tpu.memory_space<vmem>>, vector<16xf32>,
    %get3A_463 = vector.shape_cast %get3A_462 : vector<16xf32> to vector<16xf32>
    %exp3A_464 = math.exp %get3A_463 : vector<16xf32>
    %swap3A_465 = arith.constant 608 : index
    %swap3A_466 = tpu.vector_load %arg6[%swap3A_465] {strides = array<i32>} : memref<1024xf32, #tpu.memory_space<vmem>>, vector<16xf32>,
    %swap3A_467 = vector.shape_cast %swap3A_466 : vector<16xf32> to vector<16xf32>
    %swap3A_468 = vector.shape_cast %exp3A_464 : vector<16xf32> to vector<16xf32>
    tpu.vector_store %arg6[%swap3A_465], %swap3A_468 {strides = array<i32>} : memref<1024xf32, #tpu.memory_space<vmem>>, vector<16xf32>,
    %get3A_469 = arith.constant 624 : index
    %get3A_470 = tpu.vector_load %arg6[%get3A_469] {strides = array<i32>} : memref<1024xf32, #tpu.memory_space<vmem>>, vector<16xf32>,
    %get3A_471 = vector.shape_cast %get3A_470 : vector<16xf32> to vector<16xf32>
    %exp3A_472 = math.exp %get3A_471 : vector<16xf32>
    %swap3A_473 = arith.constant 624 : index
    %swap3A_474 = tpu.vector_load %arg6[%swap3A_473] {strides = array<i32>} : memref<1024xf32, #tpu.memory_space<vmem>>, vector<16xf32>,
    %swap3A_475 = vector.shape_cast %swap3A_474 : vector<16xf32> to vector<16xf32>
    %swap3A_476 = vector.shape_cast %exp3A_472 : vector<16xf32> to vector<16xf32>
    tpu.vector_store %arg6[%swap3A_473], %swap3A_476 {strides = array<i32>} : memref<1024xf32, #tpu.memory_space<vmem>>, vector<16xf32>,
    %get3A_477 = arith.constant 640 : index
    %get3A_478 = tpu.vector_load %arg6[%get3A_477] {strides = array<i32>} : memref<1024xf32, #tpu.memory_space<vmem>>, vector<16xf32>,
    %get3A_479 = vector.shape_cast %get3A_478 : vector<16xf32> to vector<16xf32>
    %exp3A_480 = math.exp %get3A_479 : vector<16xf32>
    %swap3A_481 = arith.constant 640 : index
    %swap3A_482 = tpu.vector_load %arg6[%swap3A_481] {strides = array<i32>} : memref<1024xf32, #tpu.memory_space<vmem>>, vector<16xf32>,
    %swap3A_483 = vector.shape_cast %swap3A_482 : vector<16xf32> to vector<16xf32>
    %swap3A_484 = vector.shape_cast %exp3A_480 : vector<16xf32> to vector<16xf32>
    tpu.vector_store %arg6[%swap3A_481], %swap3A_484 {strides = array<i32>} : memref<1024xf32, #tpu.memory_space<vmem>>, vector<16xf32>,
    %get3A_485 = arith.constant 656 : index
    %get3A_486 = tpu.vector_load %arg6[%get3A_485] {strides = array<i32>} : memref<1024xf32, #tpu.memory_space<vmem>>, vector<16xf32>,
    %get3A_487 = vector.shape_cast %get3A_486 : vector<16xf32> to vector<16xf32>
    %exp3A_488 = math.exp %get3A_487 : vector<16xf32>
    %swap3A_489 = arith.constant 656 : index
    %swap3A_490 = tpu.vector_load %arg6[%swap3A_489] {strides = array<i32>} : memref<1024xf32, #tpu.memory_space<vmem>>, vector<16xf32>,
    %swap3A_491 = vector.shape_cast %swap3A_490 : vector<16xf32> to vector<16xf32>
    %swap3A_492 = vector.shape_cast %exp3A_488 : vector<16xf32> to vector<16xf32>
    tpu.vector_store %arg6[%swap3A_489], %swap3A_492 {strides = array<i32>} : memref<1024xf32, #tpu.memory_space<vmem>>, vector<16xf32>,
    %get3A_493 = arith.constant 672 : index
    %get3A_494 = tpu.vector_load %arg6[%get3A_493] {strides = array<i32>} : memref<1024xf32, #tpu.memory_space<vmem>>, vector<16xf32>,
    %get3A_495 = vector.shape_cast %get3A_494 : vector<16xf32> to vector<16xf32>
    %exp3A_496 = math.exp %get3A_495 : vector<16xf32>
    %swap3A_497 = arith.constant 672 : index
    %swap3A_498 = tpu.vector_load %arg6[%swap3A_497] {strides = array<i32>} : memref<1024xf32, #tpu.memory_space<vmem>>, vector<16xf32>,
    %swap3A_499 = vector.shape_cast %swap3A_498 : vector<16xf32> to vector<16xf32>
    %swap3A_500 = vector.shape_cast %exp3A_496 : vector<16xf32> to vector<16xf32>
    tpu.vector_store %arg6[%swap3A_497], %swap3A_500 {strides = array<i32>} : memref<1024xf32, #tpu.memory_space<vmem>>, vector<16xf32>,
    %get3A_501 = arith.constant 688 : index
    %get3A_502 = tpu.vector_load %arg6[%get3A_501] {strides = array<i32>} : memref<1024xf32, #tpu.memory_space<vmem>>, vector<16xf32>,
    %get3A_503 = vector.shape_cast %get3A_502 : vector<16xf32> to vector<16xf32>
    %exp3A_504 = math.exp %get3A_503 : vector<16xf32>
    %swap3A_505 = arith.constant 688 : index
    %swap3A_506 = tpu.vector_load %arg6[%swap3A_505] {strides = array<i32>} : memref<1024xf32, #tpu.memory_space<vmem>>, vector<16xf32>,
    %swap3A_507 = vector.shape_cast %swap3A_506 : vector<16xf32> to vector<16xf32>
    %swap3A_508 = vector.shape_cast %exp3A_504 : vector<16xf32> to vector<16xf32>
    tpu.vector_store %arg6[%swap3A_505], %swap3A_508 {strides = array<i32>} : memref<1024xf32, #tpu.memory_space<vmem>>, vector<16xf32>,
    %get3A_509 = arith.constant 704 : index
    %get3A_510 = tpu.vector_load %arg6[%get3A_509] {strides = array<i32>} : memref<1024xf32, #tpu.memory_space<vmem>>, vector<16xf32>,
    %get3A_511 = vector.shape_cast %get3A_510 : vector<16xf32> to vector<16xf32>
    %exp3A_512 = math.exp %get3A_511 : vector<16xf32>
    %swap3A_513 = arith.constant 704 : index
    %swap3A_514 = tpu.vector_load %arg6[%swap3A_513] {strides = array<i32>} : memref<1024xf32, #tpu.memory_space<vmem>>, vector<16xf32>,
    %swap3A_515 = vector.shape_cast %swap3A_514 : vector<16xf32> to vector<16xf32>
    %swap3A_516 = vector.shape_cast %exp3A_512 : vector<16xf32> to vector<16xf32>
    tpu.vector_store %arg6[%swap3A_513], %swap3A_516 {strides = array<i32>} : memref<1024xf32, #tpu.memory_space<vmem>>, vector<16xf32>,
    %get3A_517 = arith.constant 720 : index
    %get3A_518 = tpu.vector_load %arg6[%get3A_517] {strides = array<i32>} : memref<1024xf32, #tpu.memory_space<vmem>>, vector<16xf32>,
    %get3A_519 = vector.shape_cast %get3A_518 : vector<16xf32> to vector<16xf32>
    %exp3A_520 = math.exp %get3A_519 : vector<16xf32>
    %swap3A_521 = arith.constant 720 : index
    %swap3A_522 = tpu.vector_load %arg6[%swap3A_521] {strides = array<i32>} : memref<1024xf32, #tpu.memory_space<vmem>>, vector<16xf32>,
    %swap3A_523 = vector.shape_cast %swap3A_522 : vector<16xf32> to vector<16xf32>
    %swap3A_524 = vector.shape_cast %exp3A_520 : vector<16xf32> to vector<16xf32>
    tpu.vector_store %arg6[%swap3A_521], %swap3A_524 {strides = array<i32>} : memref<1024xf32, #tpu.memory_space<vmem>>, vector<16xf32>,
    %get3A_525 = arith.constant 736 : index
    %get3A_526 = tpu.vector_load %arg6[%get3A_525] {strides = array<i32>} : memref<1024xf32, #tpu.memory_space<vmem>>, vector<16xf32>,
    %get3A_527 = vector.shape_cast %get3A_526 : vector<16xf32> to vector<16xf32>
    %exp3A_528 = math.exp %get3A_527 : vector<16xf32>
    %swap3A_529 = arith.constant 736 : index
    %swap3A_530 = tpu.vector_load %arg6[%swap3A_529] {strides = array<i32>} : memref<1024xf32, #tpu.memory_space<vmem>>, vector<16xf32>,
    %swap3A_531 = vector.shape_cast %swap3A_530 : vector<16xf32> to vector<16xf32>
    %swap3A_532 = vector.shape_cast %exp3A_528 : vector<16xf32> to vector<16xf32>
    tpu.vector_store %arg6[%swap3A_529], %swap3A_532 {strides = array<i32>} : memref<1024xf32, #tpu.memory_space<vmem>>, vector<16xf32>,
    %get3A_533 = arith.constant 752 : index
    %get3A_534 = tpu.vector_load %arg6[%get3A_533] {strides = array<i32>} : memref<1024xf32, #tpu.memory_space<vmem>>, vector<16xf32>,
    %get3A_535 = vector.shape_cast %get3A_534 : vector<16xf32> to vector<16xf32>
    %exp3A_536 = math.exp %get3A_535 : vector<16xf32>
    %swap3A_537 = arith.constant 752 : index
    %swap3A_538 = tpu.vector_load %arg6[%swap3A_537] {strides = array<i32>} : memref<1024xf32, #tpu.memory_space<vmem>>, vector<16xf32>,
    %swap3A_539 = vector.shape_cast %swap3A_538 : vector<16xf32> to vector<16xf32>
    %swap3A_540 = vector.shape_cast %exp3A_536 : vector<16xf32> to vector<16xf32>
    tpu.vector_store %arg6[%swap3A_537], %swap3A_540 {strides = array<i32>} : memref<1024xf32, #tpu.memory_space<vmem>>, vector<16xf32>,
    %add3A_541 = arith.constant 512 : i32
    %add3A_542 = arith.addi %mul3A_2, %add3A_541 : i32
    %dma_start3A_543 = arith.constant 512 : i32
    %dma_start3A_544 = tpu.memref_slice %arg6[%dma_start3A_543] : memref<1024xf32, #tpu.memory_space<vmem>> -> memref<256xf32, #tpu.memory_space<vmem>>
    %dma_start3A_545 = tpu.memref_slice %arg4[%add3A_542] : memref<16384xf32, #tpu.memory_space<hbm>> -> memref<256xf32, #tpu.memory_space<hbm>>
    %dma_start3A_546 = tpu.memref_slice %arg4[%add3A_542] : memref<16384xf32, #tpu.memory_space<hbm>> -> memref<256xf32, #tpu.memory_space<hbm>>
    %dma_start3A_547 = arith.constant 512 : i32
    %dma_start3A_548 = tpu.memref_slice %arg6[%dma_start3A_547] : memref<1024xf32, #tpu.memory_space<vmem>> -> memref<256xf32, #tpu.memory_space<vmem>>
    tpu.enqueue_dma source(%dma_start3A_548 : memref<256xf32, #tpu.memory_space<vmem>>) target(%dma_start3A_546 : memref<256xf32, #tpu.memory_space<hbm>>) target_semaphore(%arg8 : memref<!tpu.dma_semaphore, #tpu.memory_space<semaphore_mem>>)
    %dma_wait3A_549 = arith.constant 3 : i32
    %dma_wait3A_550 = arith.constant 768 : i32
    %dma_wait3A_551 = tpu.memref_slice %arg6[%dma_wait3A_550] : memref<1024xf32, #tpu.memory_space<vmem>> -> memref<256xf32, #tpu.memory_space<vmem>>
    %dma_wait3A_552 = arith.constant 768 : i32
    %dma_wait3A_553 = tpu.memref_slice %arg5[%dma_wait3A_552] : memref<1024xi32, #tpu.memory_space<vmem>> -> memref<256xi32, #tpu.memory_space<vmem>>
    %dma_wait3A_554 = arith.constant 0 : i32
    %dma_wait3A_555 = tpu.memref_slice %arg3[%dma_wait3A_554] : memref<100000xf32, #tpu.memory_space<hbm>> -> memref<100000xf32, #tpu.memory_space<hbm>>
    %dma_wait3A_556 = tpu.memref_slice %arg7[%dma_wait3A_549] : memref<4x!tpu.dma_semaphore, #tpu.memory_space<semaphore_mem>> -> memref<1x!tpu.dma_semaphore, #tpu.memory_space<semaphore_mem>>
    %dma_wait3A_557 = tpu.memref_squeeze %dma_wait3A_556 : memref<1x!tpu.dma_semaphore, #tpu.memory_space<semaphore_mem>> -> memref<!tpu.dma_semaphore, #tpu.memory_space<semaphore_mem>>
    tpu.wait_indirect_dma semaphore(%dma_wait3A_557 : memref<!tpu.dma_semaphore, #tpu.memory_space<semaphore_mem>>) src(%dma_wait3A_555 : memref<100000xf32, #tpu.memory_space<hbm>>) dst(%dma_wait3A_551 : memref<256xf32, #tpu.memory_space<vmem>>)
    %get3A_558 = arith.constant 768 : index
    %get3A_559 = tpu.vector_load %arg6[%get3A_558] {strides = array<i32>} : memref<1024xf32, #tpu.memory_space<vmem>>, vector<16xf32>,
    %get3A_560 = vector.shape_cast %get3A_559 : vector<16xf32> to vector<16xf32>
    %exp3A_561 = math.exp %get3A_560 : vector<16xf32>
    %swap3A_562 = arith.constant 768 : index
    %swap3A_563 = tpu.vector_load %arg6[%swap3A_562] {strides = array<i32>} : memref<1024xf32, #tpu.memory_space<vmem>>, vector<16xf32>,
    %swap3A_564 = vector.shape_cast %swap3A_563 : vector<16xf32> to vector<16xf32>
    %swap3A_565 = vector.shape_cast %exp3A_561 : vector<16xf32> to vector<16xf32>
    tpu.vector_store %arg6[%swap3A_562], %swap3A_565 {strides = array<i32>} : memref<1024xf32, #tpu.memory_space<vmem>>, vector<16xf32>,
    %get3A_566 = arith.constant 784 : index
    %get3A_567 = tpu.vector_load %arg6[%get3A_566] {strides = array<i32>} : memref<1024xf32, #tpu.memory_space<vmem>>, vector<16xf32>,
    %get3A_568 = vector.shape_cast %get3A_567 : vector<16xf32> to vector<16xf32>
    %exp3A_569 = math.exp %get3A_568 : vector<16xf32>
    %swap3A_570 = arith.constant 784 : index
    %swap3A_571 = tpu.vector_load %arg6[%swap3A_570] {strides = array<i32>} : memref<1024xf32, #tpu.memory_space<vmem>>, vector<16xf32>,
    %swap3A_572 = vector.shape_cast %swap3A_571 : vector<16xf32> to vector<16xf32>
    %swap3A_573 = vector.shape_cast %exp3A_569 : vector<16xf32> to vector<16xf32>
    tpu.vector_store %arg6[%swap3A_570], %swap3A_573 {strides = array<i32>} : memref<1024xf32, #tpu.memory_space<vmem>>, vector<16xf32>,
    %get3A_574 = arith.constant 800 : index
    %get3A_575 = tpu.vector_load %arg6[%get3A_574] {strides = array<i32>} : memref<1024xf32, #tpu.memory_space<vmem>>, vector<16xf32>,
    %get3A_576 = vector.shape_cast %get3A_575 : vector<16xf32> to vector<16xf32>
    %exp3A_577 = math.exp %get3A_576 : vector<16xf32>
    %swap3A_578 = arith.constant 800 : index
    %swap3A_579 = tpu.vector_load %arg6[%swap3A_578] {strides = array<i32>} : memref<1024xf32, #tpu.memory_space<vmem>>, vector<16xf32>,
    %swap3A_580 = vector.shape_cast %swap3A_579 : vector<16xf32> to vector<16xf32>
    %swap3A_581 = vector.shape_cast %exp3A_577 : vector<16xf32> to vector<16xf32>
    tpu.vector_store %arg6[%swap3A_578], %swap3A_581 {strides = array<i32>} : memref<1024xf32, #tpu.memory_space<vmem>>, vector<16xf32>,
    %get3A_582 = arith.constant 816 : index
    %get3A_583 = tpu.vector_load %arg6[%get3A_582] {strides = array<i32>} : memref<1024xf32, #tpu.memory_space<vmem>>, vector<16xf32>,
    %get3A_584 = vector.shape_cast %get3A_583 : vector<16xf32> to vector<16xf32>
    %exp3A_585 = math.exp %get3A_584 : vector<16xf32>
    %swap3A_586 = arith.constant 816 : index
    %swap3A_587 = tpu.vector_load %arg6[%swap3A_586] {strides = array<i32>} : memref<1024xf32, #tpu.memory_space<vmem>>, vector<16xf32>,
    %swap3A_588 = vector.shape_cast %swap3A_587 : vector<16xf32> to vector<16xf32>
    %swap3A_589 = vector.shape_cast %exp3A_585 : vector<16xf32> to vector<16xf32>
    tpu.vector_store %arg6[%swap3A_586], %swap3A_589 {strides = array<i32>} : memref<1024xf32, #tpu.memory_space<vmem>>, vector<16xf32>,
    %get3A_590 = arith.constant 832 : index
    %get3A_591 = tpu.vector_load %arg6[%get3A_590] {strides = array<i32>} : memref<1024xf32, #tpu.memory_space<vmem>>, vector<16xf32>,
    %get3A_592 = vector.shape_cast %get3A_591 : vector<16xf32> to vector<16xf32>
    %exp3A_593 = math.exp %get3A_592 : vector<16xf32>
    %swap3A_594 = arith.constant 832 : index
    %swap3A_595 = tpu.vector_load %arg6[%swap3A_594] {strides = array<i32>} : memref<1024xf32, #tpu.memory_space<vmem>>, vector<16xf32>,
    %swap3A_596 = vector.shape_cast %swap3A_595 : vector<16xf32> to vector<16xf32>
    %swap3A_597 = vector.shape_cast %exp3A_593 : vector<16xf32> to vector<16xf32>
    tpu.vector_store %arg6[%swap3A_594], %swap3A_597 {strides = array<i32>} : memref<1024xf32, #tpu.memory_space<vmem>>, vector<16xf32>,
    %get3A_598 = arith.constant 848 : index
    %get3A_599 = tpu.vector_load %arg6[%get3A_598] {strides = array<i32>} : memref<1024xf32, #tpu.memory_space<vmem>>, vector<16xf32>,
    %get3A_600 = vector.shape_cast %get3A_599 : vector<16xf32> to vector<16xf32>
    %exp3A_601 = math.exp %get3A_600 : vector<16xf32>
    %swap3A_602 = arith.constant 848 : index
    %swap3A_603 = tpu.vector_load %arg6[%swap3A_602] {strides = array<i32>} : memref<1024xf32, #tpu.memory_space<vmem>>, vector<16xf32>,
    %swap3A_604 = vector.shape_cast %swap3A_603 : vector<16xf32> to vector<16xf32>
    %swap3A_605 = vector.shape_cast %exp3A_601 : vector<16xf32> to vector<16xf32>
    tpu.vector_store %arg6[%swap3A_602], %swap3A_605 {strides = array<i32>} : memref<1024xf32, #tpu.memory_space<vmem>>, vector<16xf32>,
    %get3A_606 = arith.constant 864 : index
    %get3A_607 = tpu.vector_load %arg6[%get3A_606] {strides = array<i32>} : memref<1024xf32, #tpu.memory_space<vmem>>, vector<16xf32>,
    %get3A_608 = vector.shape_cast %get3A_607 : vector<16xf32> to vector<16xf32>
    %exp3A_609 = math.exp %get3A_608 : vector<16xf32>
    %swap3A_610 = arith.constant 864 : index
    %swap3A_611 = tpu.vector_load %arg6[%swap3A_610] {strides = array<i32>} : memref<1024xf32, #tpu.memory_space<vmem>>, vector<16xf32>,
    %swap3A_612 = vector.shape_cast %swap3A_611 : vector<16xf32> to vector<16xf32>
    %swap3A_613 = vector.shape_cast %exp3A_609 : vector<16xf32> to vector<16xf32>
    tpu.vector_store %arg6[%swap3A_610], %swap3A_613 {strides = array<i32>} : memref<1024xf32, #tpu.memory_space<vmem>>, vector<16xf32>,
    %get3A_614 = arith.constant 880 : index
    %get3A_615 = tpu.vector_load %arg6[%get3A_614] {strides = array<i32>} : memref<1024xf32, #tpu.memory_space<vmem>>, vector<16xf32>,
    %get3A_616 = vector.shape_cast %get3A_615 : vector<16xf32> to vector<16xf32>
    %exp3A_617 = math.exp %get3A_616 : vector<16xf32>
    %swap3A_618 = arith.constant 880 : index
    %swap3A_619 = tpu.vector_load %arg6[%swap3A_618] {strides = array<i32>} : memref<1024xf32, #tpu.memory_space<vmem>>, vector<16xf32>,
    %swap3A_620 = vector.shape_cast %swap3A_619 : vector<16xf32> to vector<16xf32>
    %swap3A_621 = vector.shape_cast %exp3A_617 : vector<16xf32> to vector<16xf32>
    tpu.vector_store %arg6[%swap3A_618], %swap3A_621 {strides = array<i32>} : memref<1024xf32, #tpu.memory_space<vmem>>, vector<16xf32>,
    %get3A_622 = arith.constant 896 : index
    %get3A_623 = tpu.vector_load %arg6[%get3A_622] {strides = array<i32>} : memref<1024xf32, #tpu.memory_space<vmem>>, vector<16xf32>,
    %get3A_624 = vector.shape_cast %get3A_623 : vector<16xf32> to vector<16xf32>
    %exp3A_625 = math.exp %get3A_624 : vector<16xf32>
    %swap3A_626 = arith.constant 896 : index
    %swap3A_627 = tpu.vector_load %arg6[%swap3A_626] {strides = array<i32>} : memref<1024xf32, #tpu.memory_space<vmem>>, vector<16xf32>,
    %swap3A_628 = vector.shape_cast %swap3A_627 : vector<16xf32> to vector<16xf32>
    %swap3A_629 = vector.shape_cast %exp3A_625 : vector<16xf32> to vector<16xf32>
    tpu.vector_store %arg6[%swap3A_626], %swap3A_629 {strides = array<i32>} : memref<1024xf32, #tpu.memory_space<vmem>>, vector<16xf32>,
    %get3A_630 = arith.constant 912 : index
    %get3A_631 = tpu.vector_load %arg6[%get3A_630] {strides = array<i32>} : memref<1024xf32, #tpu.memory_space<vmem>>, vector<16xf32>,
    %get3A_632 = vector.shape_cast %get3A_631 : vector<16xf32> to vector<16xf32>
    %exp3A_633 = math.exp %get3A_632 : vector<16xf32>
    %swap3A_634 = arith.constant 912 : index
    %swap3A_635 = tpu.vector_load %arg6[%swap3A_634] {strides = array<i32>} : memref<1024xf32, #tpu.memory_space<vmem>>, vector<16xf32>,
    %swap3A_636 = vector.shape_cast %swap3A_635 : vector<16xf32> to vector<16xf32>
    %swap3A_637 = vector.shape_cast %exp3A_633 : vector<16xf32> to vector<16xf32>
    tpu.vector_store %arg6[%swap3A_634], %swap3A_637 {strides = array<i32>} : memref<1024xf32, #tpu.memory_space<vmem>>, vector<16xf32>,
    %get3A_638 = arith.constant 928 : index
    %get3A_639 = tpu.vector_load %arg6[%get3A_638] {strides = array<i32>} : memref<1024xf32, #tpu.memory_space<vmem>>, vector<16xf32>,
    %get3A_640 = vector.shape_cast %get3A_639 : vector<16xf32> to vector<16xf32>
    %exp3A_641 = math.exp %get3A_640 : vector<16xf32>
    %swap3A_642 = arith.constant 928 : index
    %swap3A_643 = tpu.vector_load %arg6[%swap3A_642] {strides = array<i32>} : memref<1024xf32, #tpu.memory_space<vmem>>, vector<16xf32>,
    %swap3A_644 = vector.shape_cast %swap3A_643 : vector<16xf32> to vector<16xf32>
    %swap3A_645 = vector.shape_cast %exp3A_641 : vector<16xf32> to vector<16xf32>
    tpu.vector_store %arg6[%swap3A_642], %swap3A_645 {strides = array<i32>} : memref<1024xf32, #tpu.memory_space<vmem>>, vector<16xf32>,
    %get3A_646 = arith.constant 944 : index
    %get3A_647 = tpu.vector_load %arg6[%get3A_646] {strides = array<i32>} : memref<1024xf32, #tpu.memory_space<vmem>>, vector<16xf32>,
    %get3A_648 = vector.shape_cast %get3A_647 : vector<16xf32> to vector<16xf32>
    %exp3A_649 = math.exp %get3A_648 : vector<16xf32>
    %swap3A_650 = arith.constant 944 : index
    %swap3A_651 = tpu.vector_load %arg6[%swap3A_650] {strides = array<i32>} : memref<1024xf32, #tpu.memory_space<vmem>>, vector<16xf32>,
    %swap3A_652 = vector.shape_cast %swap3A_651 : vector<16xf32> to vector<16xf32>
    %swap3A_653 = vector.shape_cast %exp3A_649 : vector<16xf32> to vector<16xf32>
    tpu.vector_store %arg6[%swap3A_650], %swap3A_653 {strides = array<i32>} : memref<1024xf32, #tpu.memory_space<vmem>>, vector<16xf32>,
    %get3A_654 = arith.constant 960 : index
    %get3A_655 = tpu.vector_load %arg6[%get3A_654] {strides = array<i32>} : memref<1024xf32, #tpu.memory_space<vmem>>, vector<16xf32>,
    %get3A_656 = vector.shape_cast %get3A_655 : vector<16xf32> to vector<16xf32>
    %exp3A_657 = math.exp %get3A_656 : vector<16xf32>
    %swap3A_658 = arith.constant 960 : index
    %swap3A_659 = tpu.vector_load %arg6[%swap3A_658] {strides = array<i32>} : memref<1024xf32, #tpu.memory_space<vmem>>, vector<16xf32>,
    %swap3A_660 = vector.shape_cast %swap3A_659 : vector<16xf32> to vector<16xf32>
    %swap3A_661 = vector.shape_cast %exp3A_657 : vector<16xf32> to vector<16xf32>
    tpu.vector_store %arg6[%swap3A_658], %swap3A_661 {strides = array<i32>} : memref<1024xf32, #tpu.memory_space<vmem>>, vector<16xf32>,
    %get3A_662 = arith.constant 976 : index
    %get3A_663 = tpu.vector_load %arg6[%get3A_662] {strides = array<i32>} : memref<1024xf32, #tpu.memory_space<vmem>>, vector<16xf32>,
    %get3A_664 = vector.shape_cast %get3A_663 : vector<16xf32> to vector<16xf32>
    %exp3A_665 = math.exp %get3A_664 : vector<16xf32>
    %swap3A_666 = arith.constant 976 : index
    %swap3A_667 = tpu.vector_load %arg6[%swap3A_666] {strides = array<i32>} : memref<1024xf32, #tpu.memory_space<vmem>>, vector<16xf32>,
    %swap3A_668 = vector.shape_cast %swap3A_667 : vector<16xf32> to vector<16xf32>
    %swap3A_669 = vector.shape_cast %exp3A_665 : vector<16xf32> to vector<16xf32>
    tpu.vector_store %arg6[%swap3A_666], %swap3A_669 {strides = array<i32>} : memref<1024xf32, #tpu.memory_space<vmem>>, vector<16xf32>,
    %get3A_670 = arith.constant 992 : index
    %get3A_671 = tpu.vector_load %arg6[%get3A_670] {strides = array<i32>} : memref<1024xf32, #tpu.memory_space<vmem>>, vector<16xf32>,
    %get3A_672 = vector.shape_cast %get3A_671 : vector<16xf32> to vector<16xf32>
    %exp3A_673 = math.exp %get3A_672 : vector<16xf32>
    %swap3A_674 = arith.constant 992 : index
    %swap3A_675 = tpu.vector_load %arg6[%swap3A_674] {strides = array<i32>} : memref<1024xf32, #tpu.memory_space<vmem>>, vector<16xf32>,
    %swap3A_676 = vector.shape_cast %swap3A_675 : vector<16xf32> to vector<16xf32>
    %swap3A_677 = vector.shape_cast %exp3A_673 : vector<16xf32> to vector<16xf32>
    tpu.vector_store %arg6[%swap3A_674], %swap3A_677 {strides = array<i32>} : memref<1024xf32, #tpu.memory_space<vmem>>, vector<16xf32>,
    %get3A_678 = arith.constant 1008 : index
    %get3A_679 = tpu.vector_load %arg6[%get3A_678] {strides = array<i32>} : memref<1024xf32, #tpu.memory_space<vmem>>, vector<16xf32>,
    %get3A_680 = vector.shape_cast %get3A_679 : vector<16xf32> to vector<16xf32>
    %exp3A_681 = math.exp %get3A_680 : vector<16xf32>
    %swap3A_682 = arith.constant 1008 : index
    %swap3A_683 = tpu.vector_load %arg6[%swap3A_682] {strides = array<i32>} : memref<1024xf32, #tpu.memory_space<vmem>>, vector<16xf32>,
    %swap3A_684 = vector.shape_cast %swap3A_683 : vector<16xf32> to vector<16xf32>
    %swap3A_685 = vector.shape_cast %exp3A_681 : vector<16xf32> to vector<16xf32>
    tpu.vector_store %arg6[%swap3A_682], %swap3A_685 {strides = array<i32>} : memref<1024xf32, #tpu.memory_space<vmem>>, vector<16xf32>,
    %add3A_686 = arith.constant 768 : i32
    %add3A_687 = arith.addi %mul3A_2, %add3A_686 : i32
    %dma_start3A_688 = arith.constant 768 : i32
    %dma_start3A_689 = tpu.memref_slice %arg6[%dma_start3A_688] : memref<1024xf32, #tpu.memory_space<vmem>> -> memref<256xf32, #tpu.memory_space<vmem>>
    %dma_start3A_690 = tpu.memref_slice %arg4[%add3A_687] : memref<16384xf32, #tpu.memory_space<hbm>> -> memref<256xf32, #tpu.memory_space<hbm>>
    %dma_start3A_691 = tpu.memref_slice %arg4[%add3A_687] : memref<16384xf32, #tpu.memory_space<hbm>> -> memref<256xf32, #tpu.memory_space<hbm>>
    %dma_start3A_692 = arith.constant 768 : i32
    %dma_start3A_693 = tpu.memref_slice %arg6[%dma_start3A_692] : memref<1024xf32, #tpu.memory_space<vmem>> -> memref<256xf32, #tpu.memory_space<vmem>>
    tpu.enqueue_dma source(%dma_start3A_693 : memref<256xf32, #tpu.memory_space<vmem>>) target(%dma_start3A_691 : memref<256xf32, #tpu.memory_space<hbm>>) target_semaphore(%arg8 : memref<!tpu.dma_semaphore, #tpu.memory_space<semaphore_mem>>)
    %dma_wait3A_694 = arith.constant 0 : i32
    %dma_wait3A_695 = tpu.memref_slice %arg6[%dma_wait3A_694] : memref<1024xf32, #tpu.memory_space<vmem>> -> memref<256xf32, #tpu.memory_space<vmem>>
    %dma_wait3A_696 = tpu.memref_slice %arg4[%add3A_252] : memref<16384xf32, #tpu.memory_space<hbm>> -> memref<256xf32, #tpu.memory_space<hbm>>
    %dma_wait3A_697 = tpu.memref_slice %arg4[%add3A_252] : memref<16384xf32, #tpu.memory_space<hbm>> -> memref<256xf32, #tpu.memory_space<hbm>>
    %dma_wait3A_698 = arith.constant 0 : i32
    %dma_wait3A_699 = tpu.memref_slice %arg6[%dma_wait3A_698] : memref<1024xf32, #tpu.memory_space<vmem>> -> memref<256xf32, #tpu.memory_space<vmem>>
    tpu.wait_dma2 semaphore(%arg8 : memref<!tpu.dma_semaphore, #tpu.memory_space<semaphore_mem>>) src(%dma_wait3A_699 : memref<256xf32, #tpu.memory_space<vmem>>) dst(%dma_wait3A_697 : memref<256xf32, #tpu.memory_space<hbm>>)
    %dma_wait3A_700 = arith.constant 256 : i32
    %dma_wait3A_701 = tpu.memref_slice %arg6[%dma_wait3A_700] : memref<1024xf32, #tpu.memory_space<vmem>> -> memref<256xf32, #tpu.memory_space<vmem>>
    %dma_wait3A_702 = tpu.memref_slice %arg4[%add3A_397] : memref<16384xf32, #tpu.memory_space<hbm>> -> memref<256xf32, #tpu.memory_space<hbm>>
    %dma_wait3A_703 = tpu.memref_slice %arg4[%add3A_397] : memref<16384xf32, #tpu.memory_space<hbm>> -> memref<256xf32, #tpu.memory_space<hbm>>
    %dma_wait3A_704 = arith.constant 256 : i32
    %dma_wait3A_705 = tpu.memref_slice %arg6[%dma_wait3A_704] : memref<1024xf32, #tpu.memory_space<vmem>> -> memref<256xf32, #tpu.memory_space<vmem>>
    tpu.wait_dma2 semaphore(%arg8 : memref<!tpu.dma_semaphore, #tpu.memory_space<semaphore_mem>>) src(%dma_wait3A_705 : memref<256xf32, #tpu.memory_space<vmem>>) dst(%dma_wait3A_703 : memref<256xf32, #tpu.memory_space<hbm>>)
    %dma_wait3A_706 = arith.constant 512 : i32
    %dma_wait3A_707 = tpu.memref_slice %arg6[%dma_wait3A_706] : memref<1024xf32, #tpu.memory_space<vmem>> -> memref<256xf32, #tpu.memory_space<vmem>>
    %dma_wait3A_708 = tpu.memref_slice %arg4[%add3A_542] : memref<16384xf32, #tpu.memory_space<hbm>> -> memref<256xf32, #tpu.memory_space<hbm>>
    %dma_wait3A_709 = tpu.memref_slice %arg4[%add3A_542] : memref<16384xf32, #tpu.memory_space<hbm>> -> memref<256xf32, #tpu.memory_space<hbm>>
    %dma_wait3A_710 = arith.constant 512 : i32
    %dma_wait3A_711 = tpu.memref_slice %arg6[%dma_wait3A_710] : memref<1024xf32, #tpu.memory_space<vmem>> -> memref<256xf32, #tpu.memory_space<vmem>>
    tpu.wait_dma2 semaphore(%arg8 : memref<!tpu.dma_semaphore, #tpu.memory_space<semaphore_mem>>) src(%dma_wait3A_711 : memref<256xf32, #tpu.memory_space<vmem>>) dst(%dma_wait3A_709 : memref<256xf32, #tpu.memory_space<hbm>>)
    %dma_wait3A_712 = arith.constant 768 : i32
    %dma_wait3A_713 = tpu.memref_slice %arg6[%dma_wait3A_712] : memref<1024xf32, #tpu.memory_space<vmem>> -> memref<256xf32, #tpu.memory_space<vmem>>
    %dma_wait3A_714 = tpu.memref_slice %arg4[%add3A_687] : memref<16384xf32, #tpu.memory_space<hbm>> -> memref<256xf32, #tpu.memory_space<hbm>>
    %dma_wait3A_715 = tpu.memref_slice %arg4[%add3A_687] : memref<16384xf32, #tpu.memory_space<hbm>> -> memref<256xf32, #tpu.memory_space<hbm>>
    %dma_wait3A_716 = arith.constant 768 : i32
    %dma_wait3A_717 = tpu.memref_slice %arg6[%dma_wait3A_716] : memref<1024xf32, #tpu.memory_space<vmem>> -> memref<256xf32, #tpu.memory_space<vmem>>
    tpu.wait_dma2 semaphore(%arg8 : memref<!tpu.dma_semaphore, #tpu.memory_space<semaphore_mem>>) src(%dma_wait3A_717 : memref<256xf32, #tpu.memory_space<vmem>>) dst(%dma_wait3A_715 : memref<256xf32, #tpu.memory_space<hbm>>)
    return
  }
}

</mosaic_0001>

<sc_bundles>
// kernel: kernel.3.cloned.1.call-start
scs
__scs_entry_jumppad:
0x0: {  	(pc) =	sbr.rel $0x88, $3  }
0x1: {  	(tag) =	ssettag $0x0;
	lr =	simm.s32 $0x1  }
0x2: {  	[smem:$0x3F9F] =	sst lr;
	_ =	strace $0xD0000000  }
0x3: {  	_ = 	snop  }
0x4: {  	_ = 	snop  }
0x5: {  	_ = 	snop  }
0x6: {  	_ = 	snop  }
0x7: {  	_ = 	snop  }
__scs_overlays_trampoline_lowered:
0x8: {  	[smem:$0x3FAE] =	sst s0  }
0x9: {  	[smem:$0x3FAF] =	sst s1  }
0xa: {  	[smem:$0x3FB0] =	sst s2  }
0xb: {  	[smem:$0x3FB1] =	sst s3  }
0xc: {  	[smem:$0x3FB2] =	sst s4  }
0xd: {  	[smem:$0x3FB3] =	sst s5  }
0xe: {  	[smem:$0x3FB4] =	sst s6  }
0xf: {  	[smem:$0x3FB5] =	sst s7  }
0x10: {  	[smem:$0x3FB6] =	sst s8  }
0x11: {  	[smem:$0x3FB7] =	sst s9;
	s0 =	simm.s32 @!p0 $0x0  }
0x12: {  	s1 =	sld [smem:$0x3F9D];
	s0 =	simm.s32 @p0 $0x1  }
0x13: {  	[smem:$0x3FB8] =	sst s0;
	s0 =	simm.s32 @!p1 $0x0  }
0x14: {  	s2 =	sld [smem:$0x3F9C];
	s0 =	simm.s32 @p1 $0x1  }
0x15: {  	[smem:$0x3FB9] =	sst s0;
	s0 =	simm.s32 @!p2 $0x0  }
0x16: {  	s3 =	sld [smem:$0x3FDB];
	s0 =	simm.s32 @p2 $0x1  }
0x17: {  	s4 =	simm.s32 $0x1BF5;
	[smem:$0x3FBB] =	sst s0  }
0x18: {  	s0 =	sld [smem:$0x3F9E];
	_ =	swait.ge [sflag:s4], $0x0  }
0x19: {  	s7 =	sld [smem:$0x3F9F]  }
0x1a: {  	s8 =	sadd.s32 $0xFFFFE003, lr  }
0x1b: {  	s9 =	sadd.s32 $0xFFFFFEF7, lr;
	s5 =	simm.s32 $0xFFFFFFFF;
	p2 =	slt.u32 s8, $0xFFFFF086  }
0x1c: {  	p1 =	slt.u32 s9, $0xF7A;
	s5 =	simm.s32 @!p2 $0x0  }
0x1d: {  	s5 =	simm.s32 @p1 $0x1;
	p0 =	seq.s32 s7, s2  }
0x1e: {  	s7 =	smul.u32 @!p0 $0xF7A, s2;
	p2 =	seq.s32 @!p0 s5, $0x0  }
0x1f: {  	s9 =	smul.u32 $0xF7A, s1;
	s8 =	simm.s32 @!p0 $0x1BF5;
	p2 =	por !p2, p0  }
0x20: {  	[sflag:s8] =	ssyncset.s32 @!p0 $0xFFFFF086;
	s6 =	sadd.s32 @!p0 s3, s7;
	s7 =	simm.s32 @!p0 $0x108  }
0x21: {  	s3 =	sadd.s32 s3, s9;
	s6 =	sadd.s32 @!p0 $0x88, s6;
	s7 =	simm.s32 @p2 $0x1082  }
0x22: {  	[simem:s7], [sflag:s8] =	dma.local @!p0 [hbm:s6], $0xF7A  }
0x23: {  	s9 =	sor.u32 $0xD0000000, s2;
	s6 =	simm.s32 $0x108;
	_ =	swait.ge @!p0 [sflag:s8], $0x0  }
0x24: {  	s3 =	sadd.s32 $0x88, s3;
	s6 =	simm.s32 @!p1 $0x1082;
	[sflag:s4] =	ssyncset.s32 $0xFFFFF086  }
0x25: {  	[simem:s6], [sflag:s4] =	dma.local [hbm:s3], $0xF7A  }
0x26: {  	[smem:$0x3F9F] =	sst s1;
	(tag) =	ssettag s2;
	_ =	strace s9  }
0x27: {  	s1 =	sld [smem:$0x3FAF]  }
0x28: {  	s2 =	sld [smem:$0x3FB0]  }
0x29: {  	s4 =	sld [smem:$0x3FB2]  }
0x2a: {  	p0 =	seq.s32 s5, $0x0;
	s5 =	sld [smem:$0x3FB3]  }
0x2b: {  	s6 =	sld [smem:$0x3FB4]  }
0x2c: {  	s7 =	sld [smem:$0x3FB5]  }
0x2d: {  	s3 =	simm.s32 $0x108;
	s8 =	sld [smem:$0x3FB6]  }
0x2e: {  	s3 =	simm.s32 @!p0 $0x1082;
	s9 =	sld [smem:$0x3FB7]  }
0x2f: {  	lr =	sadd.s32 s0, s3;
	s0 =	sld [smem:$0x3FAE]  }
0x30: {  	s3 =	sld [smem:$0x3FB1]  }
0x31: {  	[smem:$0x3FBA] =	sst s10  }
0x32: {  	s10 =	sld [smem:$0x3FB8];
	_ =	sdelay $0x3  }
0x33: {  	p0 =	seq.s32 s10, $0x1;
	s10 =	sld [smem:$0x3FBA];
	_ =	sdelay $0x3  }
0x34: {  	[smem:$0x3FBA] =	sst s10  }
0x35: {  	s10 =	sld [smem:$0x3FB9];
	_ =	sdelay $0x3  }
0x36: {  	p1 =	seq.s32 s10, $0x1;
	s10 =	sld [smem:$0x3FBA];
	_ =	sdelay $0x3  }
0x37: {  	[smem:$0x3FBA] =	sst s10  }
0x38: {  	s10 =	sld [smem:$0x3FBB]  }
0x39: {  	_ = 	snop;
	(pc) =	sbr.ind lr, $3  }
0x3a: {  	_ = 	snop  }
0x3b: {  	_ = 	snop  }
0x3c: {  	p2 =	seq.s32 s10, $0x1;
	s10 =	sld [smem:$0x3FBA]  }
0x3d: {  	_ =	shalt  }
0x3e: {  	_ =	shalt  }
0x3f: {  	_ =	shalt  }
0x40: {  	_ =	shalt  }
0x41: {  	_ =	shalt  }
0x42: {  	_ =	shalt  }
0x43: {  	_ =	shalt  }
0x44: {  	_ =	shalt  }
0x45: {  	_ =	shalt  }
0x46: {  	_ =	shalt  }
0x47: {  	_ =	shalt  }
0x48: {  	_ =	shalt  }
0x49: {  	_ =	shalt  }
0x4a: {  	_ =	shalt  }
0x4b: {  	_ =	shalt  }
0x4c: {  	_ =	shalt  }
0x4d: {  	_ =	shalt  }
0x4e: {  	_ =	shalt  }
0x4f: {  	_ =	shalt  }
0x50: {  	_ =	shalt  }
0x51: {  	_ =	shalt  }
0x52: {  	_ =	shalt  }
0x53: {  	_ =	shalt  }
0x54: {  	_ =	shalt  }
0x55: {  	_ =	shalt  }
0x56: {  	_ =	shalt  }
0x57: {  	_ =	shalt  }
0x58: {  	_ =	shalt  }
0x59: {  	_ =	shalt  }
0x5a: {  	_ =	shalt  }
0x5b: {  	_ =	shalt  }
0x5c: {  	_ =	shalt  }
0x5d: {  	_ =	shalt  }
0x5e: {  	_ =	shalt  }
0x5f: {  	_ =	shalt  }
0x60: {  	_ =	shalt  }
0x61: {  	_ =	shalt  }
0x62: {  	_ =	shalt  }
0x63: {  	_ =	shalt  }
0x64: {  	_ =	shalt  }
0x65: {  	_ =	shalt  }
0x66: {  	_ =	shalt  }
0x67: {  	_ =	shalt  }
0x68: {  	_ =	shalt  }
0x69: {  	_ =	shalt  }
0x6a: {  	_ =	shalt  }
0x6b: {  	_ =	shalt  }
0x6c: {  	_ =	shalt  }
0x6d: {  	_ =	shalt  }
0x6e: {  	_ =	shalt  }
0x6f: {  	_ =	shalt  }
0x70: {  	_ =	shalt  }
0x71: {  	_ =	shalt  }
0x72: {  	_ =	shalt  }
0x73: {  	_ =	shalt  }
0x74: {  	_ =	shalt  }
0x75: {  	_ =	shalt  }
0x76: {  	_ =	shalt  }
0x77: {  	_ =	shalt  }
0x78: {  	_ =	shalt  }
0x79: {  	_ =	shalt  }
0x7a: {  	_ =	shalt  }
0x7b: {  	_ =	shalt  }
0x7c: {  	_ =	shalt  }
0x7d: {  	_ =	shalt  }
0x7e: {  	_ =	shalt  }
0x7f: {  	_ =	shalt  }
0x80: {  	_ =	shalt  }
0x81: {  	_ =	shalt  }
0x82: {  	_ =	shalt  }
0x83: {  	_ =	shalt  }
0x84: {  	_ =	shalt  }
0x85: {  	_ =	shalt  }
0x86: {  	_ =	shalt  }
0x87: {  	_ =	shalt  }
.Lfunc_end0:
.L_simem_size_0:
called_computation_lowered:
.L_overlay_start_0:
0x88: {  	s0 =	sld [smem:$0x3FD9]  }
0x89: {  	s1 =	sld [smem:$0x3FFE];
	_ =	sdelay $0x3  }
0x8a: {  	s0 =	sadd.s32 s1, s0  }
0x8b: {  	[smem:$0x3FC6] =	sst s0  }
0x8c: {  	_ = 	snop  }
0x8d: {  	s0 =	sld [smem:$0x3FC9]  }
0x8e: {  	s16 =	sld [smem:$0x3FD0];
	(tm) =	ssettm $0x1  }
0x8f: {  	s2 =	sld [smem:$0x3FFB];
	_ =	sdelay $0x3  }
0x90: {  	_ =	strace s2  }
0x91: {  	s2 =	sld [smem:$0x3FFC];
	_ =	sdelay $0x3  }
0x92: {  	_ =	strace s2  }
0x93: {  	s2 =	sld [smem:$0x3FFD];
	_ =	sdelay $0x3  }
0x94: {  	_ =	strace s2  }
0x95: {  	_ =	strace $0x8FFFFFFF  }
0x96: {  	s17 =	sld [smem:$0x3FDB];
	_ =	sdelay $0x1  }
0x97: {  	s3 =	simm.s32 $_scs_section_size  }
0x98: {  	s4 =	simm.s32 $_size__tile_overlayer_lowered;
	s5 =	simm.s32 $_tile_overlayer_lowered  }
0x99: {  	s20 =	simm.s32 $0x1BFF;
	s19 =	sshll.u32 s5, $0x1;
	s2 =	sadd.s32 s3, s17  }
0x9a: {  	s6 =	simm.s32 $0x0;
	s18 =	sshll.u32 s4, $0x1;
	s4 =	sadd.s32 s19, s2  }
0x9b: {  	[timem:s6], [sflag:s20] =	dma.local [hbm:s4], s18  }
0x9c: {  	_ =	swait.ge [sflag:s20], s18  }
0x9d: {  	s3 =	ssub.s32 $0x0, s18;
	[sflag:s20] =	ssyncset.done $0x0  }
0x9e: {  	[sflag:s20] =	ssyncadd.s32 s3;
	_ =	sdelay $0x1  }
0x9f: {  	s21 =	simm.s32 $0x1B8B  }
0xa0: {  	_ =	swait.ge [sflag:s21], $0x1  }
0xa1: {  	[sflag:s21] =	ssyncset.done $0x0  }
0xa2: {  	s23 =	simm.s32 $0x1B8E;
	s22 =	sld [smem:$0x3FFE];
	[sflag:s21] =	ssyncadd.s32 $0xFFFFFFFF  }
0xa3: {  	s24 =	simm.s32 $execute0_lowered;
	[smem:$0x3FD2] =	sst s23  }
0xa4: {  	s4 =	sshll.u32 s24, $0x1;
	_ =	strace $0x80000046;
	[dreg:$0x1] =	wrdreg $0xFFFFFFFF  }
0xa5: {  	s25 =	simm.s32 $_size_execute0_lowered;
	s2 =	sadd.s32 s2, s4;
	[dreg:$0x0] =	wrdreg $0x0  }
0xa6: {  	s4 =	sshll.u32 s25, $0x1;
	[dreg:$0x2] =	wrdreg s2  }
0xa7: {  	[dreg:$0x3] =	wrdreg s4  }
0xa8: {  	[dreg:$0x4] =	wrdreg $0xC0  }
0xa9: {  	_ =	task [dreg:s6], $0x5FFFF  }
0xaa: {  	[dreg:$0x1] =	wrdreg $0xFFFFFFFF  }
0xab: {  	[dreg:$0x0] =	wrdreg $0x60  }
0xac: {  	[dreg:$0x2] =	wrdreg s0  }
0xad: {  	[dreg:$0x3] =	wrdreg s22  }
0xae: {  	[dreg:$0x4] =	wrdreg s16  }
0xaf: {  	[dreg:$0x5] =	wrdreg $0x9  }
0xb0: {  	_ =	task.clear_ibuf [dreg:s6], $0x6FFFF;
	_ =	strace $0x90000046  }
0xb1: {  	s26 =	simm.s32 $0x9;
	_ =	strace $0x80000048  }
0xb2: {  	_ =	swait.ge [sflag:s26], $0x1  }
0xb3: {  	[sflag:s26] =	ssyncadd.s32 $0xFFFFFFFF  }
0xb4: {  	_ =	strace $0x90000048  }
0xb5: {  	_ =	sfence  }
0xb6: {  	s28 =	sld [smem:$0x0];
	_ =	sdelay $0x1  }
0xb7: {  	s29 =	srdreg.scid  }
0xb8: {  	s30 =	sshll.u32 s29, $0xD;
	s31 =	sshrl.u32 s29, $0x2  }
0xb9: {  	s1 =	sand.u32 $0x1, s29;
	s2 =	sand.u32 $0x4000, s30;
	s0 =	sadd.s32 s31, s28  }
0xba: {  	s1 =	sor.u32 s2, s1;
	s0 =	sshll.u32 s0, $0x11  }
0xbb: {  	s0 =	sor.u32 s0, s1  }
0xbc: {  	s0 =	sadd.s32 $0x8F2B, s0  }
0xbd: {  	[sflag:s0] =	ssyncadd.remote.s32 $0x1  }
0xbe: {  	_ =	sfence.sel $0xFFFF  }
0xbf: {  	[dreg:$0x0] =	wrdreg $0xFFFFFFFF;
	(pc) =	sbr.abs _section_cstart, $3  }
0xc0: {  	[dreg:$0x1] =	wrdreg $0xFFFFFFFF  }
0xc1: {  	_ =	task.clear_ibuf [dreg:s6], $0x2FFFF;
	_ =	strace $0x9FFFFFFF  }
0xc2: {  	(tm) =	ssettm $0x7FFFFFFF  }
0xc3: {  	_ =	shalt  }
tec
execute0_lowered:
.L_overlay_start_1:
0x0: {  	(tag) =	ssettag $0x1  }
0x1: {  	s5 =	rddreg [dreg:$0x0]  }
0x2: {  	s15 =	rddreg [dreg:$0x1]  }
0x3: {  	s2 =	rddreg [dreg:$0x2]  }
0x4: {  	s0 =	rddreg [dreg:$0x3];
	s3 =	simm.s32 $0x0;
	s1 =	stileid.u32  }
0x5: {  	[smem:$0x7FF] =	sst s3;
	s12 =	sshll.u32 s1, $0x7  }
0x6: {  	_ =	strace $0x80000047;
	s4 =	sadd.s32 s5, s12;
	s9 =	sor.u32 $0x20, s12  }
0x7: {  	[tilespmem:s3], [sflag:$0x1] =	stream.linear.gather [hbm4b:s4+s3], $0x100, $0x38;
	[tilespmem:$0x800] =	vst v63  }
0x8: {  	s16 =	simm.s32 $0x100;
	s6 =	sor.u32 $0x40, s12;
	s26 =	sadd.s32 s5, s9  }
0x9: {  	[tilespmem:s16], [sflag:$0x2] =	stream.linear.gather [hbm4b:s26+s3], $0x100, $0x38;
	[tilespmem:$0x800] =	vst v63  }
0xa: {  	s17 =	simm.s32 $0x200;
	s28 =	sor.u32 $0x60, s12;
	s7 =	sadd.s32 s5, s6  }
0xb: {  	[tilespmem:s17], [sflag:$0x3] =	stream.linear.gather [hbm4b:s7+s3], $0x100, $0x38;
	[tilespmem:$0x800] =	vst v63  }
0xc: {  	s18 =	simm.s32 $0x300;
	s19 =	simm.s32 $0x1;
	s5 =	sadd.s32 s5, s28  }
0xd: {  	[tilespmem:s18], [sflag:$0x4] =	stream.linear.gather [hbm4b:s5+s3], $0x100, $0x38;
	[tilespmem:$0x800] =	vst v63  }
0xe: {  	_ =	swait.ge [sflag:s19], $0x100  }
0xf: {  	[sflag:s19] =	ssyncset.done $0x0  }
0x10: {  	s14 =	simm.s32 $0x400;
	s13 =	simm.s32 $0x2;
	[sflag:s19] =	ssyncadd.s32 $0xFFFFFF00  }
0x11: {  	[tilespmem:s14], [sflag:$0x1] =	stream.indirect.gather [hbm4b:s15+s16], $0x1, s3, s16, $0xb8;
	[tilespmem:$0x800] =	vst v63  }
0x12: {  	_ =	swait.ge [sflag:s13], $0x100  }
0x13: {  	[sflag:s13] =	ssyncset.done $0x0  }
0x14: {  	s11 =	simm.s32 $0x500;
	s10 =	simm.s32 $0x3;
	[sflag:s13] =	ssyncadd.s32 $0xFFFFFF00  }
0x15: {  	[tilespmem:s11], [sflag:$0x2] =	stream.indirect.gather [hbm4b:s15+s16], $0x1, s16, s16, $0xb8;
	[tilespmem:$0x800] =	vst v63  }
0x16: {  	_ =	swait.ge [sflag:s10], $0x100  }
0x17: {  	[sflag:s10] =	ssyncset.done $0x0  }
0x18: {  	s8 =	simm.s32 $0x600;
	s29 =	simm.s32 $0x4;
	[sflag:s10] =	ssyncadd.s32 $0xFFFFFF00  }
0x19: {  	[tilespmem:s8], [sflag:$0x3] =	stream.indirect.gather [hbm4b:s15+s16], $0x1, s17, s16, $0xb8;
	[tilespmem:$0x800] =	vst v63  }
0x1a: {  	_ =	swait.ge [sflag:s29], $0x100  }
0x1b: {  	[sflag:s29] =	ssyncset.done $0x0  }
0x1c: {  	s30 =	simm.s32 $0x700;
	[sflag:s29] =	ssyncadd.s32 $0xFFFFFF00  }
0x1d: {  	[tilespmem:s30], [sflag:$0x4] =	stream.indirect.gather [hbm4b:s15+s16], $0x1, s18, s16, $0xb8;
	[tilespmem:$0x800] =	vst v63  }
0x1e: {  	_ =	swait.ge [sflag:s19], $0x100  }
0x1f: {  	[sflag:s19] =	ssyncset.done $0x0  }
0x20: {  	[sflag:s19] =	ssyncadd.s32 $0xFFFFFF00  }
0x21: {  	v0 =	vld [tilespmem:$0x400]  }
0x22: {  	v1 =	vld [tilespmem:$0x410]  }
0x23: {  	v2 =	vld [tilespmem:$0x420]  }
0x24: {  	v3 =	vld [tilespmem:$0x430]  }
0x25: {  	v4 =	vld [tilespmem:$0x440]  }
0x26: {  	v5 =	vld [tilespmem:$0x450];
	v0 =	vmul.f32 $1.442695020e+00, v0  }
0x27: {  	v6 =	vld [tilespmem:$0x460];
	v1 =	vmul.f32 $1.442695020e+00, v1  }
0x28: {  	v58 =	vld [tilespmem:$0x470];
	v57 =	vmul.f32 $1.442695020e+00, v2;
	(erf) = vpow2.f32 v0  }
0x29: {  	v60 =	vld [tilespmem:$0x480];
	v59 =	vmul.f32 $1.442695020e+00, v3;
	(erf) = vpow2.f32 v1  }
0x2a: {  	v62 =	vld [tilespmem:$0x490];
	v61 =	vmul.f32 $1.442695020e+00, v4;
	(erf) = vpow2.f32 v57  }
0x2b: {  	v9 =	vld [tilespmem:$0x4A0];
	v63 =	vmul.f32 $1.442695020e+00, v5;
	(erf) = vpow2.f32 v59  }
0x2c: {  	v11 =	vld [tilespmem:$0x4B0];
	v10 =	vmul.f32 $1.442695020e+00, v6;
	(erf) = vpow2.f32 v61  }
0x2d: {  	v13 =	vld [tilespmem:$0x4C0];
	v12 =	vmul.f32 $1.442695020e+00, v58;
	(erf) = vpow2.f32 v63  }
0x2e: {  	v15 =	vld [tilespmem:$0x4D0];
	v14 =	vmul.f32 $1.442695020e+00, v60;
	(erf) = vpow2.f32 v10  }
0x2f: {  	v17 =	vld [tilespmem:$0x4E0];
	v16 =	vmul.f32 $1.442695020e+00, v62;
	(erf) = vpow2.f32 v12  }
0x30: {  	v19 =	vld [tilespmem:$0x4F0];
	v18 =	vmul.f32 $1.442695020e+00, v9;
	(erf) = vpow2.f32 v14  }
0x31: {  	v20 =	vmul.f32 $1.442695020e+00, v11;
	v7 =	vpop (erf);
	(erf) = vpow2.f32 v16  }
0x32: {  	v22 =	vmul.f32 $1.442695020e+00, v13;
	[tilespmem:$0x400] =	vst v7;
	v21 =	vpop (erf);
	(erf) = vpow2.f32 v18  }
0x33: {  	v24 =	vmul.f32 $1.442695020e+00, v15;
	[tilespmem:$0x410] =	vst v21;
	v23 =	vpop (erf);
	(erf) = vpow2.f32 v20  }
0x34: {  	v26 =	vmul.f32 $1.442695020e+00, v17;
	[tilespmem:$0x420] =	vst v23;
	v25 =	vpop (erf);
	(erf) = vpow2.f32 v22  }
0x35: {  	v28 =	vmul.f32 $1.442695020e+00, v19;
	[tilespmem:$0x430] =	vst v25;
	v27 =	vpop (erf);
	(erf) = vpow2.f32 v24  }
0x36: {  	[tilespmem:$0x440] =	vst v27;
	v29 =	vpop (erf);
	(erf) = vpow2.f32 v26  }
0x37: {  	[tilespmem:$0x450] =	vst v29;
	v30 =	vpop (erf);
	(erf) = vpow2.f32 v28  }
0x38: {  	[tilespmem:$0x460] =	vst v30;
	v31 =	vpop (erf)  }
0x39: {  	[tilespmem:$0x470] =	vst v31;
	v32 =	vpop (erf)  }
0x3a: {  	[tilespmem:$0x480] =	vst v32;
	v33 =	vpop (erf)  }
0x3b: {  	[tilespmem:$0x490] =	vst v33;
	v34 =	vpop (erf)  }
0x3c: {  	[tilespmem:$0x4A0] =	vst v34;
	v35 =	vpop (erf)  }
0x3d: {  	[tilespmem:$0x4B0] =	vst v35;
	v36 =	vpop (erf)  }
0x3e: {  	[tilespmem:$0x4C0] =	vst v36;
	v37 =	vpop (erf)  }
0x3f: {  	[tilespmem:$0x4D0] =	vst v37;
	v38 =	vpop (erf)  }
0x40: {  	[tilespmem:$0x4E0] =	vst v38;
	v39 =	vpop (erf)  }
0x41: {  	s12 =	sadd.s32 s2, s12;
	[tilespmem:$0x4F0] =	vst v39  }
0x42: {  	[hbm4b:s12+s3] =	stream.linear.scatter [tilespmem:s14], [sflag:$0x5], $0x100, $0x38;
	[tilespmem:$0x800] =	vst v63  }
0x43: {  	_ =	swait.ge [sflag:s13], $0x100  }
0x44: {  	[sflag:s13] =	ssyncset.done $0x0  }
0x45: {  	[sflag:s13] =	ssyncadd.s32 $0xFFFFFF00  }
0x46: {  	v40 =	vld [tilespmem:$0x500]  }
0x47: {  	v41 =	vld [tilespmem:$0x510]  }
0x48: {  	v42 =	vld [tilespmem:$0x520]  }
0x49: {  	v43 =	vld [tilespmem:$0x530]  }
0x4a: {  	v44 =	vld [tilespmem:$0x540]  }
0x4b: {  	v45 =	vld [tilespmem:$0x550];
	v0 =	vmul.f32 $1.442695020e+00, v40  }
0x4c: {  	v46 =	vld [tilespmem:$0x560];
	v1 =	vmul.f32 $1.442695020e+00, v41  }
0x4d: {  	v48 =	vld [tilespmem:$0x570];
	v47 =	vmul.f32 $1.442695020e+00, v42;
	(erf) = vpow2.f32 v0  }
0x4e: {  	v50 =	vld [tilespmem:$0x580];
	v49 =	vmul.f32 $1.442695020e+00, v43;
	(erf) = vpow2.f32 v1  }
0x4f: {  	v52 =	vld [tilespmem:$0x590];
	v51 =	vmul.f32 $1.442695020e+00, v44;
	(erf) = vpow2.f32 v47  }
0x50: {  	v54 =	vld [tilespmem:$0x5A0];
	v53 =	vmul.f32 $1.442695020e+00, v45;
	(erf) = vpow2.f32 v49  }
0x51: {  	v56 =	vld [tilespmem:$0x5B0];
	v55 =	vmul.f32 $1.442695020e+00, v46;
	(erf) = vpow2.f32 v51  }
0x52: {  	v58 =	vld [tilespmem:$0x5C0];
	v57 =	vmul.f32 $1.442695020e+00, v48;
	(erf) = vpow2.f32 v53  }
0x53: {  	v60 =	vld [tilespmem:$0x5D0];
	v59 =	vmul.f32 $1.442695020e+00, v50;
	(erf) = vpow2.f32 v55  }
0x54: {  	v62 =	vld [tilespmem:$0x5E0];
	v61 =	vmul.f32 $1.442695020e+00, v52;
	(erf) = vpow2.f32 v57  }
0x55: {  	v9 =	vld [tilespmem:$0x5F0];
	v63 =	vmul.f32 $1.442695020e+00, v54;
	(erf) = vpow2.f32 v59  }
0x56: {  	v11 =	vmul.f32 $1.442695020e+00, v56;
	v10 =	vpop (erf);
	(erf) = vpow2.f32 v61  }
0x57: {  	v13 =	vmul.f32 $1.442695020e+00, v58;
	[tilespmem:$0x500] =	vst v10;
	v12 =	vpop (erf);
	(erf) = vpow2.f32 v63  }
0x58: {  	v15 =	vmul.f32 $1.442695020e+00, v60;
	[tilespmem:$0x510] =	vst v12;
	v14 =	vpop (erf);
	(erf) = vpow2.f32 v11  }
0x59: {  	v17 =	vmul.f32 $1.442695020e+00, v62;
	[tilespmem:$0x520] =	vst v14;
	v16 =	vpop (erf);
	(erf) = vpow2.f32 v13  }
0x5a: {  	v19 =	vmul.f32 $1.442695020e+00, v9;
	[tilespmem:$0x530] =	vst v16;
	v18 =	vpop (erf);
	(erf) = vpow2.f32 v15  }
0x5b: {  	[tilespmem:$0x540] =	vst v18;
	v20 =	vpop (erf);
	(erf) = vpow2.f32 v17  }
0x5c: {  	[tilespmem:$0x550] =	vst v20;
	v21 =	vpop (erf);
	(erf) = vpow2.f32 v19  }
0x5d: {  	[tilespmem:$0x560] =	vst v21;
	v22 =	vpop (erf)  }
0x5e: {  	[tilespmem:$0x570] =	vst v22;
	v23 =	vpop (erf)  }
0x5f: {  	[tilespmem:$0x580] =	vst v23;
	v24 =	vpop (erf)  }
0x60: {  	[tilespmem:$0x590] =	vst v24;
	v25 =	vpop (erf)  }
0x61: {  	[tilespmem:$0x5A0] =	vst v25;
	v26 =	vpop (erf)  }
0x62: {  	[tilespmem:$0x5B0] =	vst v26;
	v27 =	vpop (erf)  }
0x63: {  	[tilespmem:$0x5C0] =	vst v27;
	v28 =	vpop (erf)  }
0x64: {  	[tilespmem:$0x5D0] =	vst v28;
	v29 =	vpop (erf)  }
0x65: {  	[tilespmem:$0x5E0] =	vst v29;
	v30 =	vpop (erf)  }
0x66: {  	s9 =	sadd.s32 s2, s9;
	[tilespmem:$0x5F0] =	vst v30  }
0x67: {  	[hbm4b:s9+s3] =	stream.linear.scatter [tilespmem:s11], [sflag:$0x5], $0x100, $0x38;
	[tilespmem:$0x800] =	vst v63  }
0x68: {  	_ =	swait.ge [sflag:s10], $0x100  }
0x69: {  	[sflag:s10] =	ssyncset.done $0x0  }
0x6a: {  	[sflag:s10] =	ssyncadd.s32 $0xFFFFFF00  }
0x6b: {  	v31 =	vld [tilespmem:$0x600]  }
0x6c: {  	v32 =	vld [tilespmem:$0x610]  }
0x6d: {  	v33 =	vld [tilespmem:$0x620]  }
0x6e: {  	v34 =	vld [tilespmem:$0x630]  }
0x6f: {  	v35 =	vld [tilespmem:$0x640]  }
0x70: {  	v36 =	vld [tilespmem:$0x650];
	v0 =	vmul.f32 $1.442695020e+00, v31  }
0x71: {  	v37 =	vld [tilespmem:$0x660];
	v1 =	vmul.f32 $1.442695020e+00, v32  }
0x72: {  	v39 =	vld [tilespmem:$0x670];
	v38 =	vmul.f32 $1.442695020e+00, v33;
	(erf) = vpow2.f32 v0  }
0x73: {  	v41 =	vld [tilespmem:$0x680];
	v40 =	vmul.f32 $1.442695020e+00, v34;
	(erf) = vpow2.f32 v1  }
0x74: {  	v43 =	vld [tilespmem:$0x690];
	v42 =	vmul.f32 $1.442695020e+00, v35;
	(erf) = vpow2.f32 v38  }
0x75: {  	v45 =	vld [tilespmem:$0x6A0];
	v44 =	vmul.f32 $1.442695020e+00, v36;
	(erf) = vpow2.f32 v40  }
0x76: {  	v47 =	vld [tilespmem:$0x6B0];
	v46 =	vmul.f32 $1.442695020e+00, v37;
	(erf) = vpow2.f32 v42  }
0x77: {  	v49 =	vld [tilespmem:$0x6C0];
	v48 =	vmul.f32 $1.442695020e+00, v39;
	(erf) = vpow2.f32 v44  }
0x78: {  	v51 =	vld [tilespmem:$0x6D0];
	v50 =	vmul.f32 $1.442695020e+00, v41;
	(erf) = vpow2.f32 v46  }
0x79: {  	v53 =	vld [tilespmem:$0x6E0];
	v52 =	vmul.f32 $1.442695020e+00, v43;
	(erf) = vpow2.f32 v48  }
0x7a: {  	v55 =	vld [tilespmem:$0x6F0];
	v54 =	vmul.f32 $1.442695020e+00, v45;
	(erf) = vpow2.f32 v50  }
0x7b: {  	v57 =	vmul.f32 $1.442695020e+00, v47;
	v56 =	vpop (erf);
	(erf) = vpow2.f32 v52  }
0x7c: {  	v59 =	vmul.f32 $1.442695020e+00, v49;
	[tilespmem:$0x600] =	vst v56;
	v58 =	vpop (erf);
	(erf) = vpow2.f32 v54  }
0x7d: {  	v61 =	vmul.f32 $1.442695020e+00, v51;
	[tilespmem:$0x610] =	vst v58;
	v60 =	vpop (erf);
	(erf) = vpow2.f32 v57  }
0x7e: {  	v63 =	vmul.f32 $1.442695020e+00, v53;
	[tilespmem:$0x620] =	vst v60;
	v62 =	vpop (erf);
	(erf) = vpow2.f32 v59  }
0x7f: {  	v6 =	vmul.f32 $1.442695020e+00, v55;
	[tilespmem:$0x630] =	vst v62;
	v4 =	vpop (erf);
	(erf) = vpow2.f32 v61  }
0x80: {  	[tilespmem:$0x640] =	vst v4;
	v7 =	vpop (erf);
	(erf) = vpow2.f32 v63  }
0x81: {  	[tilespmem:$0x650] =	vst v7;
	v8 =	vpop (erf);
	(erf) = vpow2.f32 v6  }
0x82: {  	[tilespmem:$0x660] =	vst v8;
	v9 =	vpop (erf)  }
0x83: {  	[tilespmem:$0x670] =	vst v9;
	v10 =	vpop (erf)  }
0x84: {  	[tilespmem:$0x680] =	vst v10;
	v11 =	vpop (erf)  }
0x85: {  	[tilespmem:$0x690] =	vst v11;
	v12 =	vpop (erf)  }
0x86: {  	[tilespmem:$0x6A0] =	vst v12;
	v13 =	vpop (erf)  }
0x87: {  	[tilespmem:$0x6B0] =	vst v13;
	v14 =	vpop (erf)  }
0x88: {  	[tilespmem:$0x6C0] =	vst v14;
	v15 =	vpop (erf)  }
0x89: {  	[tilespmem:$0x6D0] =	vst v15;
	v16 =	vpop (erf)  }
0x8a: {  	[tilespmem:$0x6E0] =	vst v16;
	v17 =	vpop (erf)  }
0x8b: {  	s6 =	sadd.s32 s2, s6;
	[tilespmem:$0x6F0] =	vst v17  }
0x8c: {  	[hbm4b:s6+s3] =	stream.linear.scatter [tilespmem:s8], [sflag:$0x5], $0x100, $0x38;
	[tilespmem:$0x800] =	vst v63  }
0x8d: {  	_ =	swait.ge [sflag:s29], $0x100  }
0x8e: {  	[sflag:s29] =	ssyncset.done $0x0  }
0x8f: {  	[sflag:s29] =	ssyncadd.s32 $0xFFFFFF00  }
0x90: {  	v18 =	vld [tilespmem:$0x700]  }
0x91: {  	v19 =	vld [tilespmem:$0x710]  }
0x92: {  	v20 =	vld [tilespmem:$0x720]  }
0x93: {  	v21 =	vld [tilespmem:$0x730]  }
0x94: {  	v22 =	vld [tilespmem:$0x740]  }
0x95: {  	v23 =	vld [tilespmem:$0x750];
	v0 =	vmul.f32 $1.442695020e+00, v18  }
0x96: {  	v24 =	vld [tilespmem:$0x760];
	v1 =	vmul.f32 $1.442695020e+00, v19  }
0x97: {  	v26 =	vld [tilespmem:$0x770];
	v25 =	vmul.f32 $1.442695020e+00, v20;
	(erf) = vpow2.f32 v0  }
0x98: {  	v28 =	vld [tilespmem:$0x780];
	v27 =	vmul.f32 $1.442695020e+00, v21;
	(erf) = vpow2.f32 v1  }
0x99: {  	v30 =	vld [tilespmem:$0x790];
	v29 =	vmul.f32 $1.442695020e+00, v22;
	(erf) = vpow2.f32 v25  }
0x9a: {  	v32 =	vld [tilespmem:$0x7A0];
	v31 =	vmul.f32 $1.442695020e+00, v23;
	(erf) = vpow2.f32 v27  }
0x9b: {  	v34 =	vld [tilespmem:$0x7B0];
	v33 =	vmul.f32 $1.442695020e+00, v24;
	(erf) = vpow2.f32 v29  }
0x9c: {  	v36 =	vld [tilespmem:$0x7C0];
	v35 =	vmul.f32 $1.442695020e+00, v26;
	(erf) = vpow2.f32 v31  }
0x9d: {  	v38 =	vld [tilespmem:$0x7D0];
	v37 =	vmul.f32 $1.442695020e+00, v28;
	(erf) = vpow2.f32 v33  }
0x9e: {  	v40 =	vld [tilespmem:$0x7E0];
	v39 =	vmul.f32 $1.442695020e+00, v30;
	(erf) = vpow2.f32 v35  }
0x9f: {  	v42 =	vld [tilespmem:$0x7F0];
	v41 =	vmul.f32 $1.442695020e+00, v32;
	(erf) = vpow2.f32 v37  }
0xa0: {  	v44 =	vmul.f32 $1.442695020e+00, v34;
	v43 =	vpop (erf);
	(erf) = vpow2.f32 v39  }
0xa1: {  	v46 =	vmul.f32 $1.442695020e+00, v36;
	[tilespmem:$0x700] =	vst v43;
	v45 =	vpop (erf);
	(erf) = vpow2.f32 v41  }
0xa2: {  	v48 =	vmul.f32 $1.442695020e+00, v38;
	[tilespmem:$0x710] =	vst v45;
	v47 =	vpop (erf);
	(erf) = vpow2.f32 v44  }
0xa3: {  	v50 =	vmul.f32 $1.442695020e+00, v40;
	[tilespmem:$0x720] =	vst v47;
	v49 =	vpop (erf);
	(erf) = vpow2.f32 v46  }
0xa4: {  	v52 =	vmul.f32 $1.442695020e+00, v42;
	[tilespmem:$0x730] =	vst v49;
	v51 =	vpop (erf);
	(erf) = vpow2.f32 v48  }
0xa5: {  	[tilespmem:$0x740] =	vst v51;
	v53 =	vpop (erf);
	(erf) = vpow2.f32 v50  }
0xa6: {  	[tilespmem:$0x750] =	vst v53;
	v54 =	vpop (erf);
	(erf) = vpow2.f32 v52  }
0xa7: {  	v55 =	vpop (erf);
	[tilespmem:$0x760] =	vst v54  }
0xa8: {  	v56 =	vpop (erf);
	[tilespmem:$0x770] =	vst v55  }
0xa9: {  	v57 =	vpop (erf);
	[tilespmem:$0x780] =	vst v56  }
0xaa: {  	v58 =	vpop (erf);
	[tilespmem:$0x790] =	vst v57  }
0xab: {  	v59 =	vpop (erf);
	[tilespmem:$0x7A0] =	vst v58  }
0xac: {  	v60 =	vpop (erf);
	[tilespmem:$0x7B0] =	vst v59  }
0xad: {  	v61 =	vpop (erf);
	[tilespmem:$0x7C0] =	vst v60  }
0xae: {  	v62 =	vpop (erf);
	[tilespmem:$0x7D0] =	vst v61  }
0xaf: {  	[tilespmem:$0x7E0] =	vst v62;
	v63 =	vpop (erf)  }
0xb0: {  	s31 =	simm.s32 $0x5;
	s2 =	sadd.s32 s2, s28;
	[tilespmem:$0x7F0] =	vst v63  }
0xb1: {  	[hbm4b:s2+s3] =	stream.linear.scatter [tilespmem:s30], [sflag:$0x5], $0x100, $0x38;
	[tilespmem:$0x800] =	vst v63  }
0xb2: {  	_ =	swait.ge [sflag:s31], $0x100  }
0xb3: {  	[sflag:s31] =	ssyncset.done $0x0  }
0xb4: {  	[sflag:s31] =	ssyncadd.s32 $0xFFFFFF00  }
0xb5: {  	_ =	swait.ge [sflag:s31], $0x100  }
0xb6: {  	[sflag:s31] =	ssyncset.done $0x0  }
0xb7: {  	[sflag:s31] =	ssyncadd.s32 $0xFFFFFF00  }
0xb8: {  	_ =	swait.ge [sflag:s31], $0x100  }
0xb9: {  	[sflag:s31] =	ssyncset.done $0x0  }
0xba: {  	[sflag:s31] =	ssyncadd.s32 $0xFFFFFF00  }
0xbb: {  	_ =	swait.ge [sflag:s31], $0x100  }
0xbc: {  	[sflag:s31] =	ssyncset.done $0x0  }
0xbd: {  	[sflag:s31] =	ssyncadd.s32 $0xFFFFFF00  }
0xbe: {  	_ =	sfence.sel $0x180000  }
0xbf: {  	[bflag:$0x0] =	sbarrier.arrive $0xFFFF  }
0xc0: {  	p0 =	sne.s32 s1, $0x0;
	_ =	strace $0x90000047  }
0xc1: {  	s0 =	sadd.s32 @!p0 $0x100000, s0;
	[bflag:$0x2] =	sbarrier.arrive $0xFFFF  }
0xc2: {  	[sflag:s0] =	ssyncadd.tile.s32 @!p0 $0x1;
	_ =	shalt  }
.Lfunc_end2:
_tile_overlayer_lowered:
.L_overlay_start_2:
0xc3: {  	(tag) =	ssettag $0x2  }
0xc4: {  	s0 =	rddreg [dreg:$0x0];
	s2 =	stileid.u32  }
0xc5: {  	s1 =	rddreg [dreg:$0x1];
	p0 =	sne.s32 s2, $0x0  }
0xc6: {  	s3 =	rddreg [dreg:$0x2];
	[bflag:$0x3] =	sbarrier.arrive $0xFFFF;
	s2 =	simm.s32 @!p0 $0x1C06  }
0xc7: {  	[timem:s3], [sflag:s2] =	dma.local @!p0 [hbm:s0], s1  }
0xc8: {  	s0 =	simm.s32 @!p0 $0x6  }
0xc9: {  	_ =	swait.ge @!p0 [sflag:s0], s1  }
0xca: {  	s1 =	ssub.s32 @!p0 $0x0, s1;
	[sflag:s0] =	ssyncset.done @!p0 $0x0  }
0xcb: {  	[sflag:s0] =	ssyncadd.s32 @!p0 s1  }
0xcc: {  	[bflag:$0x3] =	sbarrier.arrive $0xFFFF  }
0xcd: {  	_ =	shalt  }

</sc_bundles>
